<compile_context>
chip_gen: v7x
topology: tpu7x:2x2x1
jax: 0.10.2.dev20260603
libtpu: 0.0.44.dev20260713+nightly
codegen_flags: <defaults>
</compile_context>

<pallas_src>
import jax
import jax.numpy as jnp
from jax import lax
from jax.experimental import pallas as pl
from jax.experimental.pallas import tpu as pltpu
from jax.experimental.pallas import tpu_sc as plsc

NC = 2
NS = 16
NW = NC * NS

BLK = 128
SBLK = 4
NBUF = 2
ROWS_PER_TILE = 244


def _gather_grid(n: int, vocab: int, dim: int):
    mesh = plsc.VectorSubcoreMesh(core_axis_name="c", subcore_axis_name="s")
    satoms = SBLK * BLK
    ns = ROWS_PER_TILE // SBLK
    nrows = -(-n // BLK)
    span = ROWS_PER_TILE * BLK
    rem_rows = nrows - NW * ROWS_PER_TILE
    rem_atoms = n - NW * span
    fetch = ROWS_PER_TILE + rem_rows
    assert ROWS_PER_TILE % SBLK == 0 and rem_rows * BLK >= rem_atoms

    def body(table_hbm, idx_hbm, out_hbm, table_sh, idx_span, rows_v,
             sem_idx, sem_gat, sem_out):
        sid = lax.axis_index("s")
        wid = sid * NC + lax.axis_index("c")
        row0 = wid * ROWS_PER_TILE
        base = wid * span

        idx_fetch = pltpu.make_async_copy(
            idx_hbm.at[pl.ds(row0, fetch)], idx_span, sem_idx)
        idx_fetch.start()

        @pl.when(sid == 0)
        def _():
            pltpu.sync_copy(table_hbm, table_sh)

        idx_fetch.wait()
        plsc.subcore_barrier()

        def gat_copy(s, j):
            return pltpu.make_async_copy(
                table_sh.at[idx_span.at[s * SBLK + j]],
                rows_v.at[s % NBUF, pl.ds(j * BLK, BLK)], sem_gat)

        def out_copy(s):
            return pltpu.make_async_copy(
                rows_v.at[s % NBUF], out_hbm.at[pl.ds(base + s * satoms,
                                                      satoms)], sem_out)

        def slot(s, retire, reclaim):
            if retire:
                for j in range(SBLK):
                    gat_copy(s - 1, j).wait()
                out_copy(s - 1).start()
            if reclaim:
                out_copy(s - NBUF).wait()
            for j in range(SBLK):
                gat_copy(s, j).start()

        for s in range(NBUF):
            slot(s, retire=(s >= 1), reclaim=False)

        def steady(s, carry):
            slot(s, retire=True, reclaim=True)
            return carry

        lax.fori_loop(NBUF, ns, steady, 0)

        for j in range(SBLK):
            gat_copy(ns - 1, j).wait()
        out_copy(ns - 1).start()
        for s in range(ns - NBUF, ns):
            out_copy(s).wait()

        @pl.when(wid == NW - 1)
        def _():
            for j in range(rem_rows):
                take = min(BLK, rem_atoms - j * BLK)
                if take <= 0:
                    break
                tail = pltpu.make_async_copy(
                    table_sh.at[idx_span.at[ROWS_PER_TILE + j]],
                    rows_v.at[0, pl.ds(0, BLK)], sem_gat)
                tail.start()
                tail.wait()
                pltpu.sync_copy(
                    rows_v.at[0, pl.ds(0, take)],
                    out_hbm.at[pl.ds(NW * span + j * BLK, take)])

    return pl.kernel(
        body,
        out_type=jax.ShapeDtypeStruct((n, dim), jnp.float32),
        mesh=mesh,
        scratch_types=[
            pltpu.VMEM_SHARED((vocab, dim), jnp.float32),
            pltpu.VMEM((fetch, BLK), jnp.int32),
            pltpu.VMEM((NBUF, satoms, dim), jnp.float32),
            pltpu.SemaphoreType.DMA,
            pltpu.SemaphoreType.DMA,
            pltpu.SemaphoreType.DMA,
        ],
        compiler_params=pltpu.CompilerParams(use_tc_tiling_on_sc=False),
    )


@jax.jit
def kernel(embeddings, indices):
    n = indices.shape[0]
    dim = embeddings.shape[1]
    nrows = -(-n // BLK)
    idx2d = jnp.pad(indices, (0, nrows * BLK - n)).reshape(nrows, BLK)
    return _gather_grid(n, embeddings.shape[0], dim)(embeddings, idx2d)

# --- scband reference (transcript-rebuilt; emitter-appended) ---
"""Pipeline reference for scband-residue-atom-embed-28028956574043 (READ-ONLY COPY).

The authoritative reference and input builder live on the scoring server;
editing this copy changes nothing except your own understanding.
"""

import jax, jax.numpy as jnp
import numpy as np

IDX_CURR = 167  # total rows: sum of residue atom counts over sorted amino-acid letters
DIM = 64
N_ATOMS = 1000000


def setup_inputs(seed: int = 0) -> dict:
    key = jax.random.key(seed)
    k1, k2 = jax.random.split(key)
    # learned parameter: nn.Parameter(torch.zeros(idx_curr, dim)); use randn so the
    # gather is non-trivial numerically
    embeddings = jax.random.normal(k1, (IDX_CURR, DIM), dtype=jnp.float32)
    # The torch forward builds torch.cat([arange(reslen[letter]) + index_mapping[letter]
    # for letter in metadata.seq]) -> a flat int vector of per-atom row indices into the
    # table, all values in [0, idx_curr). We model it directly as that index vector.
    indices = jax.random.randint(k2, (N_ATOMS,), 0, IDX_CURR, dtype=jnp.int32)
    return {"embeddings": embeddings, "indices": indices}


def reference(embeddings, indices):
    # ans: (atoms, dim) -- row gather from the per-atom embedding table
    return jnp.take(embeddings, indices, axis=0)

if __name__ == "__main__":
    import jax
    _d = setup_inputs()
    print(jax.jit(kernel)(*tuple(_d.values())))

</pallas_src>

<mosaic_0001>
#map = affine_map<(d0, d1) -> (0, 0)>
module attributes {stable_mosaic.version = 14 : i64} {
  func.func @body(%arg0: i32, %arg1: i32, %arg2: memref<167x64xf32, #tpu.memory_space<hbm>>, %arg3: memref<7813x128xi32, #tpu.memory_space<hbm>>, %arg4: memref<1000000x64xf32, #tpu.memory_space<hbm>>, %arg5: memref<167x64xf32, #tpu.memory_space<vmem_shared>>, %arg6: memref<249x128xi32, #tpu.memory_space<vmem>>, %arg7: memref<2x512x64xf32, #tpu.memory_space<vmem>>, %arg8: memref<!tpu.dma_semaphore, #tpu.memory_space<semaphore_mem>>, %arg9: memref<!tpu.dma_semaphore, #tpu.memory_space<semaphore_mem>>, %arg10: memref<!tpu.dma_semaphore, #tpu.memory_space<semaphore_mem>>) attributes {dimension_semantics = [#tpu.dimension_semantics<core_parallel>, #tpu.dimension_semantics<subcore_parallel>], iteration_bounds = array<i64: 2, 16>, scalar_prefetch = 0 : i64, scratch_operands = 6 : i64, tpu.core_type = #tpu.core_type<sc_vector_subcore>, window_params = [{transform_indices = #map}, {transform_indices = #map}, {transform_indices = #map}]} {
    %mul3A = arith.constant 2 : i32
    %mul3A_0 = arith.muli %arg1, %mul3A : i32
    %add3A = arith.addi %mul3A_0, %arg0 : i32
    %mul3A_1 = arith.constant 244 : i32
    %mul3A_2 = arith.muli %add3A, %mul3A_1 : i32
    %mul3A_3 = arith.constant 31232 : i32
    %mul3A_4 = arith.muli %add3A, %mul3A_3 : i32
    %dma_start3A = arith.constant 0 : i32
    %dma_start3A_5 = tpu.memref_slice %arg3[%mul3A_2, %dma_start3A] : memref<7813x128xi32, #tpu.memory_space<hbm>> -> memref<249x128xi32, #tpu.memory_space<hbm>>
    %dma_start3A_6 = arith.constant 0 : i32
    %dma_start3A_7 = tpu.memref_slice %arg3[%mul3A_2, %dma_start3A_6] : memref<7813x128xi32, #tpu.memory_space<hbm>> -> memref<249x128xi32, #tpu.memory_space<hbm>>
    tpu.enqueue_dma source(%dma_start3A_7 : memref<249x128xi32, #tpu.memory_space<hbm>>) target(%arg6 : memref<249x128xi32, #tpu.memory_space<vmem>>) target_semaphore(%arg8 : memref<!tpu.dma_semaphore, #tpu.memory_space<semaphore_mem>>)
    %eq3A = arith.constant 0 : i32
    %eq3A_8 = arith.cmpi eq, %arg1, %eq3A : i32
    %convert_element_type3A = arith.extui %eq3A_8 : i1 to i32
    %cond3A = arith.constant 0 : i32
    %cond3A_9 = arith.cmpi ne, %convert_element_type3A, %cond3A : i32
    scf.if %cond3A_9 {
      "tpu.region"() ({
        %run_scoped3A = tpu.sem_alloc : memref<!tpu.dma_semaphore, #tpu.memory_space<semaphore_mem>>
        tpu.enqueue_dma source(%arg2 : memref<167x64xf32, #tpu.memory_space<hbm>>) target(%arg5 : memref<167x64xf32, #tpu.memory_space<vmem_shared>>) target_semaphore(%run_scoped3A : memref<!tpu.dma_semaphore, #tpu.memory_space<semaphore_mem>>)
        tpu.wait_dma2 semaphore(%run_scoped3A : memref<!tpu.dma_semaphore, #tpu.memory_space<semaphore_mem>>) src(%arg2 : memref<167x64xf32, #tpu.memory_space<hbm>>) dst(%arg5 : memref<167x64xf32, #tpu.memory_space<vmem_shared>>)
        tpu.yield
      }) : () -> ()
    } else {
    }
    %dma_wait3A = arith.constant 0 : i32
    %dma_wait3A_10 = tpu.memref_slice %arg3[%mul3A_2, %dma_wait3A] : memref<7813x128xi32, #tpu.memory_space<hbm>> -> memref<249x128xi32, #tpu.memory_space<hbm>>
    %dma_wait3A_11 = arith.constant 0 : i32
    %dma_wait3A_12 = tpu.memref_slice %arg3[%mul3A_2, %dma_wait3A_11] : memref<7813x128xi32, #tpu.memory_space<hbm>> -> memref<249x128xi32, #tpu.memory_space<hbm>>
    tpu.wait_dma2 semaphore(%arg8 : memref<!tpu.dma_semaphore, #tpu.memory_space<semaphore_mem>>) src(%dma_wait3A_12 : memref<249x128xi32, #tpu.memory_space<hbm>>) dst(%arg6 : memref<249x128xi32, #tpu.memory_space<vmem>>)
    %barrier3A = arith.constant 0 : index
    tpu.barrier barrier_id(%barrier3A)
    %dma_start3A_13 = arith.constant 0 : i32
    %dma_start3A_14 = arith.constant 0 : i32
    %dma_start3A_15 = arith.constant 0 : i32
    %dma_start3A_16 = arith.constant 0 : i32
    %dma_start3A_17 = tpu.memref_slice %arg7[%dma_start3A_14, %dma_start3A_15, %dma_start3A_16] : memref<2x512x64xf32, #tpu.memory_space<vmem>> -> memref<1x128x64xf32, #tpu.memory_space<vmem>>
    %dma_start3A_18 = tpu.memref_squeeze %dma_start3A_17 : memref<1x128x64xf32, #tpu.memory_space<vmem>> -> memref<128x64xf32, #tpu.memory_space<vmem>>
    %dma_start3A_19 = arith.constant 0 : i32
    %dma_start3A_20 = tpu.memref_slice %arg6[%dma_start3A_13, %dma_start3A_19] : memref<249x128xi32, #tpu.memory_space<vmem>> -> memref<1x128xi32, #tpu.memory_space<vmem>>
    %dma_start3A_21 = tpu.memref_squeeze %dma_start3A_20 : memref<1x128xi32, #tpu.memory_space<vmem>> -> memref<128xi32, #tpu.memory_space<vmem>>
    %dma_start3A_22 = arith.constant 0 : i32
    %dma_start3A_23 = arith.constant 0 : i32
    %dma_start3A_24 = tpu.memref_slice %arg5[%dma_start3A_22, %dma_start3A_23] : memref<167x64xf32, #tpu.memory_space<vmem_shared>> -> memref<167x64xf32, #tpu.memory_space<vmem_shared>>
    tpu.enqueue_indirect_dma source(%dma_start3A_24 : memref<167x64xf32, #tpu.memory_space<vmem_shared>>) target(%dma_start3A_18 : memref<128x64xf32, #tpu.memory_space<vmem>>) offsets(%dma_start3A_21 : memref<128xi32, #tpu.memory_space<vmem>>) semaphore(%arg9 : memref<!tpu.dma_semaphore, #tpu.memory_space<semaphore_mem>>)
    %dma_start3A_25 = arith.constant 1 : i32
    %dma_start3A_26 = arith.constant 0 : i32
    %dma_start3A_27 = arith.constant 128 : i32
    %dma_start3A_28 = arith.constant 0 : i32
    %dma_start3A_29 = tpu.memref_slice %arg7[%dma_start3A_26, %dma_start3A_27, %dma_start3A_28] : memref<2x512x64xf32, #tpu.memory_space<vmem>> -> memref<1x128x64xf32, #tpu.memory_space<vmem>>
    %dma_start3A_30 = tpu.memref_squeeze %dma_start3A_29 : memref<1x128x64xf32, #tpu.memory_space<vmem>> -> memref<128x64xf32, #tpu.memory_space<vmem>>
    %dma_start3A_31 = arith.constant 0 : i32
    %dma_start3A_32 = tpu.memref_slice %arg6[%dma_start3A_25, %dma_start3A_31] : memref<249x128xi32, #tpu.memory_space<vmem>> -> memref<1x128xi32, #tpu.memory_space<vmem>>
    %dma_start3A_33 = tpu.memref_squeeze %dma_start3A_32 : memref<1x128xi32, #tpu.memory_space<vmem>> -> memref<128xi32, #tpu.memory_space<vmem>>
    %dma_start3A_34 = arith.constant 0 : i32
    %dma_start3A_35 = arith.constant 0 : i32
    %dma_start3A_36 = tpu.memref_slice %arg5[%dma_start3A_34, %dma_start3A_35] : memref<167x64xf32, #tpu.memory_space<vmem_shared>> -> memref<167x64xf32, #tpu.memory_space<vmem_shared>>
    tpu.enqueue_indirect_dma source(%dma_start3A_36 : memref<167x64xf32, #tpu.memory_space<vmem_shared>>) target(%dma_start3A_30 : memref<128x64xf32, #tpu.memory_space<vmem>>) offsets(%dma_start3A_33 : memref<128xi32, #tpu.memory_space<vmem>>) semaphore(%arg9 : memref<!tpu.dma_semaphore, #tpu.memory_space<semaphore_mem>>)
    %dma_start3A_37 = arith.constant 2 : i32
    %dma_start3A_38 = arith.constant 0 : i32
    %dma_start3A_39 = arith.constant 256 : i32
    %dma_start3A_40 = arith.constant 0 : i32
    %dma_start3A_41 = tpu.memref_slice %arg7[%dma_start3A_38, %dma_start3A_39, %dma_start3A_40] : memref<2x512x64xf32, #tpu.memory_space<vmem>> -> memref<1x128x64xf32, #tpu.memory_space<vmem>>
    %dma_start3A_42 = tpu.memref_squeeze %dma_start3A_41 : memref<1x128x64xf32, #tpu.memory_space<vmem>> -> memref<128x64xf32, #tpu.memory_space<vmem>>
    %dma_start3A_43 = arith.constant 0 : i32
    %dma_start3A_44 = tpu.memref_slice %arg6[%dma_start3A_37, %dma_start3A_43] : memref<249x128xi32, #tpu.memory_space<vmem>> -> memref<1x128xi32, #tpu.memory_space<vmem>>
    %dma_start3A_45 = tpu.memref_squeeze %dma_start3A_44 : memref<1x128xi32, #tpu.memory_space<vmem>> -> memref<128xi32, #tpu.memory_space<vmem>>
    %dma_start3A_46 = arith.constant 0 : i32
    %dma_start3A_47 = arith.constant 0 : i32
    %dma_start3A_48 = tpu.memref_slice %arg5[%dma_start3A_46, %dma_start3A_47] : memref<167x64xf32, #tpu.memory_space<vmem_shared>> -> memref<167x64xf32, #tpu.memory_space<vmem_shared>>
    tpu.enqueue_indirect_dma source(%dma_start3A_48 : memref<167x64xf32, #tpu.memory_space<vmem_shared>>) target(%dma_start3A_42 : memref<128x64xf32, #tpu.memory_space<vmem>>) offsets(%dma_start3A_45 : memref<128xi32, #tpu.memory_space<vmem>>) semaphore(%arg9 : memref<!tpu.dma_semaphore, #tpu.memory_space<semaphore_mem>>)
    %dma_start3A_49 = arith.constant 3 : i32
    %dma_start3A_50 = arith.constant 0 : i32
    %dma_start3A_51 = arith.constant 384 : i32
    %dma_start3A_52 = arith.constant 0 : i32
    %dma_start3A_53 = tpu.memref_slice %arg7[%dma_start3A_50, %dma_start3A_51, %dma_start3A_52] : memref<2x512x64xf32, #tpu.memory_space<vmem>> -> memref<1x128x64xf32, #tpu.memory_space<vmem>>
    %dma_start3A_54 = tpu.memref_squeeze %dma_start3A_53 : memref<1x128x64xf32, #tpu.memory_space<vmem>> -> memref<128x64xf32, #tpu.memory_space<vmem>>
    %dma_start3A_55 = arith.constant 0 : i32
    %dma_start3A_56 = tpu.memref_slice %arg6[%dma_start3A_49, %dma_start3A_55] : memref<249x128xi32, #tpu.memory_space<vmem>> -> memref<1x128xi32, #tpu.memory_space<vmem>>
    %dma_start3A_57 = tpu.memref_squeeze %dma_start3A_56 : memref<1x128xi32, #tpu.memory_space<vmem>> -> memref<128xi32, #tpu.memory_space<vmem>>
    %dma_start3A_58 = arith.constant 0 : i32
    %dma_start3A_59 = arith.constant 0 : i32
    %dma_start3A_60 = tpu.memref_slice %arg5[%dma_start3A_58, %dma_start3A_59] : memref<167x64xf32, #tpu.memory_space<vmem_shared>> -> memref<167x64xf32, #tpu.memory_space<vmem_shared>>
    tpu.enqueue_indirect_dma source(%dma_start3A_60 : memref<167x64xf32, #tpu.memory_space<vmem_shared>>) target(%dma_start3A_54 : memref<128x64xf32, #tpu.memory_space<vmem>>) offsets(%dma_start3A_57 : memref<128xi32, #tpu.memory_space<vmem>>) semaphore(%arg9 : memref<!tpu.dma_semaphore, #tpu.memory_space<semaphore_mem>>)
    %dma_wait3A_61 = arith.constant 0 : i32
    %dma_wait3A_62 = arith.constant 0 : i32
    %dma_wait3A_63 = arith.constant 0 : i32
    %dma_wait3A_64 = arith.constant 0 : i32
    %dma_wait3A_65 = tpu.memref_slice %arg7[%dma_wait3A_62, %dma_wait3A_63, %dma_wait3A_64] : memref<2x512x64xf32, #tpu.memory_space<vmem>> -> memref<1x128x64xf32, #tpu.memory_space<vmem>>
    %dma_wait3A_66 = tpu.memref_squeeze %dma_wait3A_65 : memref<1x128x64xf32, #tpu.memory_space<vmem>> -> memref<128x64xf32, #tpu.memory_space<vmem>>
    %dma_wait3A_67 = arith.constant 0 : i32
    %dma_wait3A_68 = tpu.memref_slice %arg6[%dma_wait3A_61, %dma_wait3A_67] : memref<249x128xi32, #tpu.memory_space<vmem>> -> memref<1x128xi32, #tpu.memory_space<vmem>>
    %dma_wait3A_69 = tpu.memref_squeeze %dma_wait3A_68 : memref<1x128xi32, #tpu.memory_space<vmem>> -> memref<128xi32, #tpu.memory_space<vmem>>
    %dma_wait3A_70 = arith.constant 0 : i32
    %dma_wait3A_71 = arith.constant 0 : i32
    %dma_wait3A_72 = tpu.memref_slice %arg5[%dma_wait3A_70, %dma_wait3A_71] : memref<167x64xf32, #tpu.memory_space<vmem_shared>> -> memref<167x64xf32, #tpu.memory_space<vmem_shared>>
    tpu.wait_indirect_dma semaphore(%arg9 : memref<!tpu.dma_semaphore, #tpu.memory_space<semaphore_mem>>) src(%dma_wait3A_72 : memref<167x64xf32, #tpu.memory_space<vmem_shared>>) dst(%dma_wait3A_66 : memref<128x64xf32, #tpu.memory_space<vmem>>)
    %dma_wait3A_73 = arith.constant 1 : i32
    %dma_wait3A_74 = arith.constant 0 : i32
    %dma_wait3A_75 = arith.constant 128 : i32
    %dma_wait3A_76 = arith.constant 0 : i32
    %dma_wait3A_77 = tpu.memref_slice %arg7[%dma_wait3A_74, %dma_wait3A_75, %dma_wait3A_76] : memref<2x512x64xf32, #tpu.memory_space<vmem>> -> memref<1x128x64xf32, #tpu.memory_space<vmem>>
    %dma_wait3A_78 = tpu.memref_squeeze %dma_wait3A_77 : memref<1x128x64xf32, #tpu.memory_space<vmem>> -> memref<128x64xf32, #tpu.memory_space<vmem>>
    %dma_wait3A_79 = arith.constant 0 : i32
    %dma_wait3A_80 = tpu.memref_slice %arg6[%dma_wait3A_73, %dma_wait3A_79] : memref<249x128xi32, #tpu.memory_space<vmem>> -> memref<1x128xi32, #tpu.memory_space<vmem>>
    %dma_wait3A_81 = tpu.memref_squeeze %dma_wait3A_80 : memref<1x128xi32, #tpu.memory_space<vmem>> -> memref<128xi32, #tpu.memory_space<vmem>>
    %dma_wait3A_82 = arith.constant 0 : i32
    %dma_wait3A_83 = arith.constant 0 : i32
    %dma_wait3A_84 = tpu.memref_slice %arg5[%dma_wait3A_82, %dma_wait3A_83] : memref<167x64xf32, #tpu.memory_space<vmem_shared>> -> memref<167x64xf32, #tpu.memory_space<vmem_shared>>
    tpu.wait_indirect_dma semaphore(%arg9 : memref<!tpu.dma_semaphore, #tpu.memory_space<semaphore_mem>>) src(%dma_wait3A_84 : memref<167x64xf32, #tpu.memory_space<vmem_shared>>) dst(%dma_wait3A_78 : memref<128x64xf32, #tpu.memory_space<vmem>>)
    %dma_wait3A_85 = arith.constant 2 : i32
    %dma_wait3A_86 = arith.constant 0 : i32
    %dma_wait3A_87 = arith.constant 256 : i32
    %dma_wait3A_88 = arith.constant 0 : i32
    %dma_wait3A_89 = tpu.memref_slice %arg7[%dma_wait3A_86, %dma_wait3A_87, %dma_wait3A_88] : memref<2x512x64xf32, #tpu.memory_space<vmem>> -> memref<1x128x64xf32, #tpu.memory_space<vmem>>
    %dma_wait3A_90 = tpu.memref_squeeze %dma_wait3A_89 : memref<1x128x64xf32, #tpu.memory_space<vmem>> -> memref<128x64xf32, #tpu.memory_space<vmem>>
    %dma_wait3A_91 = arith.constant 0 : i32
    %dma_wait3A_92 = tpu.memref_slice %arg6[%dma_wait3A_85, %dma_wait3A_91] : memref<249x128xi32, #tpu.memory_space<vmem>> -> memref<1x128xi32, #tpu.memory_space<vmem>>
    %dma_wait3A_93 = tpu.memref_squeeze %dma_wait3A_92 : memref<1x128xi32, #tpu.memory_space<vmem>> -> memref<128xi32, #tpu.memory_space<vmem>>
    %dma_wait3A_94 = arith.constant 0 : i32
    %dma_wait3A_95 = arith.constant 0 : i32
    %dma_wait3A_96 = tpu.memref_slice %arg5[%dma_wait3A_94, %dma_wait3A_95] : memref<167x64xf32, #tpu.memory_space<vmem_shared>> -> memref<167x64xf32, #tpu.memory_space<vmem_shared>>
    tpu.wait_indirect_dma semaphore(%arg9 : memref<!tpu.dma_semaphore, #tpu.memory_space<semaphore_mem>>) src(%dma_wait3A_96 : memref<167x64xf32, #tpu.memory_space<vmem_shared>>) dst(%dma_wait3A_90 : memref<128x64xf32, #tpu.memory_space<vmem>>)
    %dma_wait3A_97 = arith.constant 3 : i32
    %dma_wait3A_98 = arith.constant 0 : i32
    %dma_wait3A_99 = arith.constant 384 : i32
    %dma_wait3A_100 = arith.constant 0 : i32
    %dma_wait3A_101 = tpu.memref_slice %arg7[%dma_wait3A_98, %dma_wait3A_99, %dma_wait3A_100] : memref<2x512x64xf32, #tpu.memory_space<vmem>> -> memref<1x128x64xf32, #tpu.memory_space<vmem>>
    %dma_wait3A_102 = tpu.memref_squeeze %dma_wait3A_101 : memref<1x128x64xf32, #tpu.memory_space<vmem>> -> memref<128x64xf32, #tpu.memory_space<vmem>>
    %dma_wait3A_103 = arith.constant 0 : i32
    %dma_wait3A_104 = tpu.memref_slice %arg6[%dma_wait3A_97, %dma_wait3A_103] : memref<249x128xi32, #tpu.memory_space<vmem>> -> memref<1x128xi32, #tpu.memory_space<vmem>>
    %dma_wait3A_105 = tpu.memref_squeeze %dma_wait3A_104 : memref<1x128xi32, #tpu.memory_space<vmem>> -> memref<128xi32, #tpu.memory_space<vmem>>
    %dma_wait3A_106 = arith.constant 0 : i32
    %dma_wait3A_107 = arith.constant 0 : i32
    %dma_wait3A_108 = tpu.memref_slice %arg5[%dma_wait3A_106, %dma_wait3A_107] : memref<167x64xf32, #tpu.memory_space<vmem_shared>> -> memref<167x64xf32, #tpu.memory_space<vmem_shared>>
    tpu.wait_indirect_dma semaphore(%arg9 : memref<!tpu.dma_semaphore, #tpu.memory_space<semaphore_mem>>) src(%dma_wait3A_108 : memref<167x64xf32, #tpu.memory_space<vmem_shared>>) dst(%dma_wait3A_102 : memref<128x64xf32, #tpu.memory_space<vmem>>)
    %add3A_109 = arith.constant 0 : i32
    %add3A_110 = arith.addi %mul3A_4, %add3A_109 : i32
    %dma_start3A_111 = arith.constant 0 : i32
    %dma_start3A_112 = arith.constant 0 : i32
    %dma_start3A_113 = arith.constant 0 : i32
    %dma_start3A_114 = tpu.memref_slice %arg7[%dma_start3A_111, %dma_start3A_112, %dma_start3A_113] : memref<2x512x64xf32, #tpu.memory_space<vmem>> -> memref<1x512x64xf32, #tpu.memory_space<vmem>>
    %dma_start3A_115 = tpu.memref_squeeze %dma_start3A_114 : memref<1x512x64xf32, #tpu.memory_space<vmem>> -> memref<512x64xf32, #tpu.memory_space<vmem>>
    %dma_start3A_116 = arith.constant 0 : i32
    %dma_start3A_117 = tpu.memref_slice %arg4[%add3A_110, %dma_start3A_116] : memref<1000000x64xf32, #tpu.memory_space<hbm>> -> memref<512x64xf32, #tpu.memory_space<hbm>>
    %dma_start3A_118 = arith.constant 0 : i32
    %dma_start3A_119 = tpu.memref_slice %arg4[%add3A_110, %dma_start3A_118] : memref<1000000x64xf32, #tpu.memory_space<hbm>> -> memref<512x64xf32, #tpu.memory_space<hbm>>
    %dma_start3A_120 = arith.constant 0 : i32
    %dma_start3A_121 = arith.constant 0 : i32
    %dma_start3A_122 = tpu.memref_slice %arg7[%dma_start3A_111, %dma_start3A_120, %dma_start3A_121] : memref<2x512x64xf32, #tpu.memory_space<vmem>> -> memref<1x512x64xf32, #tpu.memory_space<vmem>>
    %dma_start3A_123 = tpu.memref_squeeze %dma_start3A_122 : memref<1x512x64xf32, #tpu.memory_space<vmem>> -> memref<512x64xf32, #tpu.memory_space<vmem>>
    tpu.enqueue_dma source(%dma_start3A_123 : memref<512x64xf32, #tpu.memory_space<vmem>>) target(%dma_start3A_119 : memref<512x64xf32, #tpu.memory_space<hbm>>) target_semaphore(%arg10 : memref<!tpu.dma_semaphore, #tpu.memory_space<semaphore_mem>>)
    %dma_start3A_124 = arith.constant 4 : i32
    %dma_start3A_125 = arith.constant 1 : i32
    %dma_start3A_126 = arith.constant 0 : i32
    %dma_start3A_127 = arith.constant 0 : i32
    %dma_start3A_128 = tpu.memref_slice %arg7[%dma_start3A_125, %dma_start3A_126, %dma_start3A_127] : memref<2x512x64xf32, #tpu.memory_space<vmem>> -> memref<1x128x64xf32, #tpu.memory_space<vmem>>
    %dma_start3A_129 = tpu.memref_squeeze %dma_start3A_128 : memref<1x128x64xf32, #tpu.memory_space<vmem>> -> memref<128x64xf32, #tpu.memory_space<vmem>>
    %dma_start3A_130 = arith.constant 0 : i32
    %dma_start3A_131 = tpu.memref_slice %arg6[%dma_start3A_124, %dma_start3A_130] : memref<249x128xi32, #tpu.memory_space<vmem>> -> memref<1x128xi32, #tpu.memory_space<vmem>>
    %dma_start3A_132 = tpu.memref_squeeze %dma_start3A_131 : memref<1x128xi32, #tpu.memory_space<vmem>> -> memref<128xi32, #tpu.memory_space<vmem>>
    %dma_start3A_133 = arith.constant 0 : i32
    %dma_start3A_134 = arith.constant 0 : i32
    %dma_start3A_135 = tpu.memref_slice %arg5[%dma_start3A_133, %dma_start3A_134] : memref<167x64xf32, #tpu.memory_space<vmem_shared>> -> memref<167x64xf32, #tpu.memory_space<vmem_shared>>
    tpu.enqueue_indirect_dma source(%dma_start3A_135 : memref<167x64xf32, #tpu.memory_space<vmem_shared>>) target(%dma_start3A_129 : memref<128x64xf32, #tpu.memory_space<vmem>>) offsets(%dma_start3A_132 : memref<128xi32, #tpu.memory_space<vmem>>) semaphore(%arg9 : memref<!tpu.dma_semaphore, #tpu.memory_space<semaphore_mem>>)
    %dma_start3A_136 = arith.constant 5 : i32
    %dma_start3A_137 = arith.constant 1 : i32
    %dma_start3A_138 = arith.constant 128 : i32
    %dma_start3A_139 = arith.constant 0 : i32
    %dma_start3A_140 = tpu.memref_slice %arg7[%dma_start3A_137, %dma_start3A_138, %dma_start3A_139] : memref<2x512x64xf32, #tpu.memory_space<vmem>> -> memref<1x128x64xf32, #tpu.memory_space<vmem>>
    %dma_start3A_141 = tpu.memref_squeeze %dma_start3A_140 : memref<1x128x64xf32, #tpu.memory_space<vmem>> -> memref<128x64xf32, #tpu.memory_space<vmem>>
    %dma_start3A_142 = arith.constant 0 : i32
    %dma_start3A_143 = tpu.memref_slice %arg6[%dma_start3A_136, %dma_start3A_142] : memref<249x128xi32, #tpu.memory_space<vmem>> -> memref<1x128xi32, #tpu.memory_space<vmem>>
    %dma_start3A_144 = tpu.memref_squeeze %dma_start3A_143 : memref<1x128xi32, #tpu.memory_space<vmem>> -> memref<128xi32, #tpu.memory_space<vmem>>
    %dma_start3A_145 = arith.constant 0 : i32
    %dma_start3A_146 = arith.constant 0 : i32
    %dma_start3A_147 = tpu.memref_slice %arg5[%dma_start3A_145, %dma_start3A_146] : memref<167x64xf32, #tpu.memory_space<vmem_shared>> -> memref<167x64xf32, #tpu.memory_space<vmem_shared>>
    tpu.enqueue_indirect_dma source(%dma_start3A_147 : memref<167x64xf32, #tpu.memory_space<vmem_shared>>) target(%dma_start3A_141 : memref<128x64xf32, #tpu.memory_space<vmem>>) offsets(%dma_start3A_144 : memref<128xi32, #tpu.memory_space<vmem>>) semaphore(%arg9 : memref<!tpu.dma_semaphore, #tpu.memory_space<semaphore_mem>>)
    %dma_start3A_148 = arith.constant 6 : i32
    %dma_start3A_149 = arith.constant 1 : i32
    %dma_start3A_150 = arith.constant 256 : i32
    %dma_start3A_151 = arith.constant 0 : i32
    %dma_start3A_152 = tpu.memref_slice %arg7[%dma_start3A_149, %dma_start3A_150, %dma_start3A_151] : memref<2x512x64xf32, #tpu.memory_space<vmem>> -> memref<1x128x64xf32, #tpu.memory_space<vmem>>
    %dma_start3A_153 = tpu.memref_squeeze %dma_start3A_152 : memref<1x128x64xf32, #tpu.memory_space<vmem>> -> memref<128x64xf32, #tpu.memory_space<vmem>>
    %dma_start3A_154 = arith.constant 0 : i32
    %dma_start3A_155 = tpu.memref_slice %arg6[%dma_start3A_148, %dma_start3A_154] : memref<249x128xi32, #tpu.memory_space<vmem>> -> memref<1x128xi32, #tpu.memory_space<vmem>>
    %dma_start3A_156 = tpu.memref_squeeze %dma_start3A_155 : memref<1x128xi32, #tpu.memory_space<vmem>> -> memref<128xi32, #tpu.memory_space<vmem>>
    %dma_start3A_157 = arith.constant 0 : i32
    %dma_start3A_158 = arith.constant 0 : i32
    %dma_start3A_159 = tpu.memref_slice %arg5[%dma_start3A_157, %dma_start3A_158] : memref<167x64xf32, #tpu.memory_space<vmem_shared>> -> memref<167x64xf32, #tpu.memory_space<vmem_shared>>
    tpu.enqueue_indirect_dma source(%dma_start3A_159 : memref<167x64xf32, #tpu.memory_space<vmem_shared>>) target(%dma_start3A_153 : memref<128x64xf32, #tpu.memory_space<vmem>>) offsets(%dma_start3A_156 : memref<128xi32, #tpu.memory_space<vmem>>) semaphore(%arg9 : memref<!tpu.dma_semaphore, #tpu.memory_space<semaphore_mem>>)
    %dma_start3A_160 = arith.constant 7 : i32
    %dma_start3A_161 = arith.constant 1 : i32
    %dma_start3A_162 = arith.constant 384 : i32
    %dma_start3A_163 = arith.constant 0 : i32
    %dma_start3A_164 = tpu.memref_slice %arg7[%dma_start3A_161, %dma_start3A_162, %dma_start3A_163] : memref<2x512x64xf32, #tpu.memory_space<vmem>> -> memref<1x128x64xf32, #tpu.memory_space<vmem>>
    %dma_start3A_165 = tpu.memref_squeeze %dma_start3A_164 : memref<1x128x64xf32, #tpu.memory_space<vmem>> -> memref<128x64xf32, #tpu.memory_space<vmem>>
    %dma_start3A_166 = arith.constant 0 : i32
    %dma_start3A_167 = tpu.memref_slice %arg6[%dma_start3A_160, %dma_start3A_166] : memref<249x128xi32, #tpu.memory_space<vmem>> -> memref<1x128xi32, #tpu.memory_space<vmem>>
    %dma_start3A_168 = tpu.memref_squeeze %dma_start3A_167 : memref<1x128xi32, #tpu.memory_space<vmem>> -> memref<128xi32, #tpu.memory_space<vmem>>
    %dma_start3A_169 = arith.constant 0 : i32
    %dma_start3A_170 = arith.constant 0 : i32
    %dma_start3A_171 = tpu.memref_slice %arg5[%dma_start3A_169, %dma_start3A_170] : memref<167x64xf32, #tpu.memory_space<vmem_shared>> -> memref<167x64xf32, #tpu.memory_space<vmem_shared>>
    tpu.enqueue_indirect_dma source(%dma_start3A_171 : memref<167x64xf32, #tpu.memory_space<vmem_shared>>) target(%dma_start3A_165 : memref<128x64xf32, #tpu.memory_space<vmem>>) offsets(%dma_start3A_168 : memref<128xi32, #tpu.memory_space<vmem>>) semaphore(%arg9 : memref<!tpu.dma_semaphore, #tpu.memory_space<semaphore_mem>>)
    %scan3A = arith.constant 0 : i32
    %scan3A_172 = arith.constant 2 : i32
    %scan3A_173 = arith.constant 59 : i32
    %scan3A_174 = arith.addi %scan3A_172, %scan3A_173 : i32
    %scan3A_175 = arith.constant 1 : i32
    scf.for %scan3A_275 = %scan3A_172 to %scan3A_174 step %scan3A_175  : i32 {
      %sub3A = arith.constant 1 : i32
      %sub3A_276 = arith.subi %scan3A_275, %sub3A : i32
      %mul3A_277 = arith.constant 4 : i32
      %mul3A_278 = arith.muli %sub3A_276, %mul3A_277 : i32
      %add3A_279 = arith.constant 0 : i32
      %add3A_280 = arith.addi %mul3A_278, %add3A_279 : i32
      %jit3A = arith.constant 2 : i32
      %eq3A_281 = arith.constant 0 : i32
      %eq3A_282 = arith.cmpi eq, %jit3A, %eq3A_281 : i32
      %jit3A_283 = arith.constant 1 : i32
      %select_n3A = arith.select %eq3A_282, %jit3A_283, %jit3A : i32
      %rem3A = arith.remsi %sub3A_276, %select_n3A : i32
      %ne3A = arith.constant 0 : i32
      %ne3A_284 = arith.cmpi ne, %rem3A, %ne3A : i32
      %lt3A = arith.constant 0 : i32
      %lt3A_285 = arith.cmpi slt, %rem3A, %lt3A : i32
      %lt3A_286 = arith.constant 0 : i32
      %lt3A_287 = arith.cmpi slt, %select_n3A, %lt3A_286 : i32
      %ne3A_288 = arith.xori %lt3A_285, %lt3A_287 : i1
      %and3A = arith.andi %ne3A_288, %ne3A_284 : i1
      %add3A_289 = arith.addi %rem3A, %select_n3A : i32
      %select_n3A_290 = arith.select %and3A, %add3A_289, %rem3A : i32
      %dma_wait3A_291 = arith.constant 0 : i32
      %dma_wait3A_292 = arith.constant 0 : i32
      %dma_wait3A_293 = tpu.memref_slice %arg7[%select_n3A_290, %dma_wait3A_291, %dma_wait3A_292] : memref<2x512x64xf32, #tpu.memory_space<vmem>> -> memref<1x128x64xf32, #tpu.memory_space<vmem>>
      %dma_wait3A_294 = tpu.memref_squeeze %dma_wait3A_293 : memref<1x128x64xf32, #tpu.memory_space<vmem>> -> memref<128x64xf32, #tpu.memory_space<vmem>>
      %dma_wait3A_295 = arith.constant 0 : i32
      %dma_wait3A_296 = tpu.memref_slice %arg6[%add3A_280, %dma_wait3A_295] : memref<249x128xi32, #tpu.memory_space<vmem>> -> memref<1x128xi32, #tpu.memory_space<vmem>>
      %dma_wait3A_297 = tpu.memref_squeeze %dma_wait3A_296 : memref<1x128xi32, #tpu.memory_space<vmem>> -> memref<128xi32, #tpu.memory_space<vmem>>
      %dma_wait3A_298 = arith.constant 0 : i32
      %dma_wait3A_299 = arith.constant 0 : i32
      %dma_wait3A_300 = tpu.memref_slice %arg5[%dma_wait3A_298, %dma_wait3A_299] : memref<167x64xf32, #tpu.memory_space<vmem_shared>> -> memref<167x64xf32, #tpu.memory_space<vmem_shared>>
      tpu.wait_indirect_dma semaphore(%arg9 : memref<!tpu.dma_semaphore, #tpu.memory_space<semaphore_mem>>) src(%dma_wait3A_300 : memref<167x64xf32, #tpu.memory_space<vmem_shared>>) dst(%dma_wait3A_294 : memref<128x64xf32, #tpu.memory_space<vmem>>)
      %sub3A_301 = arith.constant 1 : i32
      %sub3A_302 = arith.subi %scan3A_275, %sub3A_301 : i32
      %mul3A_303 = arith.constant 4 : i32
      %mul3A_304 = arith.muli %sub3A_302, %mul3A_303 : i32
      %add3A_305 = arith.constant 1 : i32
      %add3A_306 = arith.addi %mul3A_304, %add3A_305 : i32
      %jit3A_307 = arith.constant 2 : i32
      %eq3A_308 = arith.constant 0 : i32
      %eq3A_309 = arith.cmpi eq, %jit3A_307, %eq3A_308 : i32
      %jit3A_310 = arith.constant 1 : i32
      %select_n3A_311 = arith.select %eq3A_309, %jit3A_310, %jit3A_307 : i32
      %rem3A_312 = arith.remsi %sub3A_302, %select_n3A_311 : i32
      %ne3A_313 = arith.constant 0 : i32
      %ne3A_314 = arith.cmpi ne, %rem3A_312, %ne3A_313 : i32
      %lt3A_315 = arith.constant 0 : i32
      %lt3A_316 = arith.cmpi slt, %rem3A_312, %lt3A_315 : i32
      %lt3A_317 = arith.constant 0 : i32
      %lt3A_318 = arith.cmpi slt, %select_n3A_311, %lt3A_317 : i32
      %ne3A_319 = arith.xori %lt3A_316, %lt3A_318 : i1
      %and3A_320 = arith.andi %ne3A_319, %ne3A_314 : i1
      %add3A_321 = arith.addi %rem3A_312, %select_n3A_311 : i32
      %select_n3A_322 = arith.select %and3A_320, %add3A_321, %rem3A_312 : i32
      %dma_wait3A_323 = arith.constant 128 : i32
      %dma_wait3A_324 = arith.constant 0 : i32
      %dma_wait3A_325 = tpu.memref_slice %arg7[%select_n3A_322, %dma_wait3A_323, %dma_wait3A_324] : memref<2x512x64xf32, #tpu.memory_space<vmem>> -> memref<1x128x64xf32, #tpu.memory_space<vmem>>
      %dma_wait3A_326 = tpu.memref_squeeze %dma_wait3A_325 : memref<1x128x64xf32, #tpu.memory_space<vmem>> -> memref<128x64xf32, #tpu.memory_space<vmem>>
      %dma_wait3A_327 = arith.constant 0 : i32
      %dma_wait3A_328 = tpu.memref_slice %arg6[%add3A_306, %dma_wait3A_327] : memref<249x128xi32, #tpu.memory_space<vmem>> -> memref<1x128xi32, #tpu.memory_space<vmem>>
      %dma_wait3A_329 = tpu.memref_squeeze %dma_wait3A_328 : memref<1x128xi32, #tpu.memory_space<vmem>> -> memref<128xi32, #tpu.memory_space<vmem>>
      %dma_wait3A_330 = arith.constant 0 : i32
      %dma_wait3A_331 = arith.constant 0 : i32
      %dma_wait3A_332 = tpu.memref_slice %arg5[%dma_wait3A_330, %dma_wait3A_331] : memref<167x64xf32, #tpu.memory_space<vmem_shared>> -> memref<167x64xf32, #tpu.memory_space<vmem_shared>>
      tpu.wait_indirect_dma semaphore(%arg9 : memref<!tpu.dma_semaphore, #tpu.memory_space<semaphore_mem>>) src(%dma_wait3A_332 : memref<167x64xf32, #tpu.memory_space<vmem_shared>>) dst(%dma_wait3A_326 : memref<128x64xf32, #tpu.memory_space<vmem>>)
      %sub3A_333 = arith.constant 1 : i32
      %sub3A_334 = arith.subi %scan3A_275, %sub3A_333 : i32
      %mul3A_335 = arith.constant 4 : i32
      %mul3A_336 = arith.muli %sub3A_334, %mul3A_335 : i32
      %add3A_337 = arith.constant 2 : i32
      %add3A_338 = arith.addi %mul3A_336, %add3A_337 : i32
      %jit3A_339 = arith.constant 2 : i32
      %eq3A_340 = arith.constant 0 : i32
      %eq3A_341 = arith.cmpi eq, %jit3A_339, %eq3A_340 : i32
      %jit3A_342 = arith.constant 1 : i32
      %select_n3A_343 = arith.select %eq3A_341, %jit3A_342, %jit3A_339 : i32
      %rem3A_344 = arith.remsi %sub3A_334, %select_n3A_343 : i32
      %ne3A_345 = arith.constant 0 : i32
      %ne3A_346 = arith.cmpi ne, %rem3A_344, %ne3A_345 : i32
      %lt3A_347 = arith.constant 0 : i32
      %lt3A_348 = arith.cmpi slt, %rem3A_344, %lt3A_347 : i32
      %lt3A_349 = arith.constant 0 : i32
      %lt3A_350 = arith.cmpi slt, %select_n3A_343, %lt3A_349 : i32
      %ne3A_351 = arith.xori %lt3A_348, %lt3A_350 : i1
      %and3A_352 = arith.andi %ne3A_351, %ne3A_346 : i1
      %add3A_353 = arith.addi %rem3A_344, %select_n3A_343 : i32
      %select_n3A_354 = arith.select %and3A_352, %add3A_353, %rem3A_344 : i32
      %dma_wait3A_355 = arith.constant 256 : i32
      %dma_wait3A_356 = arith.constant 0 : i32
      %dma_wait3A_357 = tpu.memref_slice %arg7[%select_n3A_354, %dma_wait3A_355, %dma_wait3A_356] : memref<2x512x64xf32, #tpu.memory_space<vmem>> -> memref<1x128x64xf32, #tpu.memory_space<vmem>>
      %dma_wait3A_358 = tpu.memref_squeeze %dma_wait3A_357 : memref<1x128x64xf32, #tpu.memory_space<vmem>> -> memref<128x64xf32, #tpu.memory_space<vmem>>
      %dma_wait3A_359 = arith.constant 0 : i32
      %dma_wait3A_360 = tpu.memref_slice %arg6[%add3A_338, %dma_wait3A_359] : memref<249x128xi32, #tpu.memory_space<vmem>> -> memref<1x128xi32, #tpu.memory_space<vmem>>
      %dma_wait3A_361 = tpu.memref_squeeze %dma_wait3A_360 : memref<1x128xi32, #tpu.memory_space<vmem>> -> memref<128xi32, #tpu.memory_space<vmem>>
      %dma_wait3A_362 = arith.constant 0 : i32
      %dma_wait3A_363 = arith.constant 0 : i32
      %dma_wait3A_364 = tpu.memref_slice %arg5[%dma_wait3A_362, %dma_wait3A_363] : memref<167x64xf32, #tpu.memory_space<vmem_shared>> -> memref<167x64xf32, #tpu.memory_space<vmem_shared>>
      tpu.wait_indirect_dma semaphore(%arg9 : memref<!tpu.dma_semaphore, #tpu.memory_space<semaphore_mem>>) src(%dma_wait3A_364 : memref<167x64xf32, #tpu.memory_space<vmem_shared>>) dst(%dma_wait3A_358 : memref<128x64xf32, #tpu.memory_space<vmem>>)
      %sub3A_365 = arith.constant 1 : i32
      %sub3A_366 = arith.subi %scan3A_275, %sub3A_365 : i32
      %mul3A_367 = arith.constant 4 : i32
      %mul3A_368 = arith.muli %sub3A_366, %mul3A_367 : i32
      %add3A_369 = arith.constant 3 : i32
      %add3A_370 = arith.addi %mul3A_368, %add3A_369 : i32
      %jit3A_371 = arith.constant 2 : i32
      %eq3A_372 = arith.constant 0 : i32
      %eq3A_373 = arith.cmpi eq, %jit3A_371, %eq3A_372 : i32
      %jit3A_374 = arith.constant 1 : i32
      %select_n3A_375 = arith.select %eq3A_373, %jit3A_374, %jit3A_371 : i32
      %rem3A_376 = arith.remsi %sub3A_366, %select_n3A_375 : i32
      %ne3A_377 = arith.constant 0 : i32
      %ne3A_378 = arith.cmpi ne, %rem3A_376, %ne3A_377 : i32
      %lt3A_379 = arith.constant 0 : i32
      %lt3A_380 = arith.cmpi slt, %rem3A_376, %lt3A_379 : i32
      %lt3A_381 = arith.constant 0 : i32
      %lt3A_382 = arith.cmpi slt, %select_n3A_375, %lt3A_381 : i32
      %ne3A_383 = arith.xori %lt3A_380, %lt3A_382 : i1
      %and3A_384 = arith.andi %ne3A_383, %ne3A_378 : i1
      %add3A_385 = arith.addi %rem3A_376, %select_n3A_375 : i32
      %select_n3A_386 = arith.select %and3A_384, %add3A_385, %rem3A_376 : i32
      %dma_wait3A_387 = arith.constant 384 : i32
      %dma_wait3A_388 = arith.constant 0 : i32
      %dma_wait3A_389 = tpu.memref_slice %arg7[%select_n3A_386, %dma_wait3A_387, %dma_wait3A_388] : memref<2x512x64xf32, #tpu.memory_space<vmem>> -> memref<1x128x64xf32, #tpu.memory_space<vmem>>
      %dma_wait3A_390 = tpu.memref_squeeze %dma_wait3A_389 : memref<1x128x64xf32, #tpu.memory_space<vmem>> -> memref<128x64xf32, #tpu.memory_space<vmem>>
      %dma_wait3A_391 = arith.constant 0 : i32
      %dma_wait3A_392 = tpu.memref_slice %arg6[%add3A_370, %dma_wait3A_391] : memref<249x128xi32, #tpu.memory_space<vmem>> -> memref<1x128xi32, #tpu.memory_space<vmem>>
      %dma_wait3A_393 = tpu.memref_squeeze %dma_wait3A_392 : memref<1x128xi32, #tpu.memory_space<vmem>> -> memref<128xi32, #tpu.memory_space<vmem>>
      %dma_wait3A_394 = arith.constant 0 : i32
      %dma_wait3A_395 = arith.constant 0 : i32
      %dma_wait3A_396 = tpu.memref_slice %arg5[%dma_wait3A_394, %dma_wait3A_395] : memref<167x64xf32, #tpu.memory_space<vmem_shared>> -> memref<167x64xf32, #tpu.memory_space<vmem_shared>>
      tpu.wait_indirect_dma semaphore(%arg9 : memref<!tpu.dma_semaphore, #tpu.memory_space<semaphore_mem>>) src(%dma_wait3A_396 : memref<167x64xf32, #tpu.memory_space<vmem_shared>>) dst(%dma_wait3A_390 : memref<128x64xf32, #tpu.memory_space<vmem>>)
      %sub3A_397 = arith.constant 1 : i32
      %sub3A_398 = arith.subi %scan3A_275, %sub3A_397 : i32
      %jit3A_399 = arith.constant 2 : i32
      %eq3A_400 = arith.constant 0 : i32
      %eq3A_401 = arith.cmpi eq, %jit3A_399, %eq3A_400 : i32
      %jit3A_402 = arith.constant 1 : i32
      %select_n3A_403 = arith.select %eq3A_401, %jit3A_402, %jit3A_399 : i32
      %rem3A_404 = arith.remsi %sub3A_398, %select_n3A_403 : i32
      %ne3A_405 = arith.constant 0 : i32
      %ne3A_406 = arith.cmpi ne, %rem3A_404, %ne3A_405 : i32
      %lt3A_407 = arith.constant 0 : i32
      %lt3A_408 = arith.cmpi slt, %rem3A_404, %lt3A_407 : i32
      %lt3A_409 = arith.constant 0 : i32
      %lt3A_410 = arith.cmpi slt, %select_n3A_403, %lt3A_409 : i32
      %ne3A_411 = arith.xori %lt3A_408, %lt3A_410 : i1
      %and3A_412 = arith.andi %ne3A_411, %ne3A_406 : i1
      %add3A_413 = arith.addi %rem3A_404, %select_n3A_403 : i32
      %select_n3A_414 = arith.select %and3A_412, %add3A_413, %rem3A_404 : i32
      %mul3A_415 = arith.constant 512 : i32
      %mul3A_416 = arith.muli %sub3A_398, %mul3A_415 : i32
      %add3A_417 = arith.addi %mul3A_4, %mul3A_416 : i32
      %dma_start3A_418 = arith.constant 0 : i32
      %dma_start3A_419 = arith.constant 0 : i32
      %dma_start3A_420 = tpu.memref_slice %arg7[%select_n3A_414, %dma_start3A_418, %dma_start3A_419] : memref<2x512x64xf32, #tpu.memory_space<vmem>> -> memref<1x512x64xf32, #tpu.memory_space<vmem>>
      %dma_start3A_421 = tpu.memref_squeeze %dma_start3A_420 : memref<1x512x64xf32, #tpu.memory_space<vmem>> -> memref<512x64xf32, #tpu.memory_space<vmem>>
      %dma_start3A_422 = arith.constant 0 : i32
      %dma_start3A_423 = tpu.memref_slice %arg4[%add3A_417, %dma_start3A_422] : memref<1000000x64xf32, #tpu.memory_space<hbm>> -> memref<512x64xf32, #tpu.memory_space<hbm>>
      %dma_start3A_424 = arith.constant 0 : i32
      %dma_start3A_425 = tpu.memref_slice %arg4[%add3A_417, %dma_start3A_424] : memref<1000000x64xf32, #tpu.memory_space<hbm>> -> memref<512x64xf32, #tpu.memory_space<hbm>>
      %dma_start3A_426 = arith.constant 0 : i32
      %dma_start3A_427 = arith.constant 0 : i32
      %dma_start3A_428 = tpu.memref_slice %arg7[%select_n3A_414, %dma_start3A_426, %dma_start3A_427] : memref<2x512x64xf32, #tpu.memory_space<vmem>> -> memref<1x512x64xf32, #tpu.memory_space<vmem>>
      %dma_start3A_429 = tpu.memref_squeeze %dma_start3A_428 : memref<1x512x64xf32, #tpu.memory_space<vmem>> -> memref<512x64xf32, #tpu.memory_space<vmem>>
      tpu.enqueue_dma source(%dma_start3A_429 : memref<512x64xf32, #tpu.memory_space<vmem>>) target(%dma_start3A_425 : memref<512x64xf32, #tpu.memory_space<hbm>>) target_semaphore(%arg10 : memref<!tpu.dma_semaphore, #tpu.memory_space<semaphore_mem>>)
      %sub3A_430 = arith.constant 2 : i32
      %sub3A_431 = arith.subi %scan3A_275, %sub3A_430 : i32
      %jit3A_432 = arith.constant 2 : i32
      %eq3A_433 = arith.constant 0 : i32
      %eq3A_434 = arith.cmpi eq, %jit3A_432, %eq3A_433 : i32
      %jit3A_435 = arith.constant 1 : i32
      %select_n3A_436 = arith.select %eq3A_434, %jit3A_435, %jit3A_432 : i32
      %rem3A_437 = arith.remsi %sub3A_431, %select_n3A_436 : i32
      %ne3A_438 = arith.constant 0 : i32
      %ne3A_439 = arith.cmpi ne, %rem3A_437, %ne3A_438 : i32
      %lt3A_440 = arith.constant 0 : i32
      %lt3A_441 = arith.cmpi slt, %rem3A_437, %lt3A_440 : i32
      %lt3A_442 = arith.constant 0 : i32
      %lt3A_443 = arith.cmpi slt, %select_n3A_436, %lt3A_442 : i32
      %ne3A_444 = arith.xori %lt3A_441, %lt3A_443 : i1
      %and3A_445 = arith.andi %ne3A_444, %ne3A_439 : i1
      %add3A_446 = arith.addi %rem3A_437, %select_n3A_436 : i32
      %select_n3A_447 = arith.select %and3A_445, %add3A_446, %rem3A_437 : i32
      %mul3A_448 = arith.constant 512 : i32
      %mul3A_449 = arith.muli %sub3A_431, %mul3A_448 : i32
      %add3A_450 = arith.addi %mul3A_4, %mul3A_449 : i32
      %dma_wait3A_451 = arith.constant 0 : i32
      %dma_wait3A_452 = arith.constant 0 : i32
      %dma_wait3A_453 = tpu.memref_slice %arg7[%select_n3A_447, %dma_wait3A_451, %dma_wait3A_452] : memref<2x512x64xf32, #tpu.memory_space<vmem>> -> memref<1x512x64xf32, #tpu.memory_space<vmem>>
      %dma_wait3A_454 = tpu.memref_squeeze %dma_wait3A_453 : memref<1x512x64xf32, #tpu.memory_space<vmem>> -> memref<512x64xf32, #tpu.memory_space<vmem>>
      %dma_wait3A_455 = arith.constant 0 : i32
      %dma_wait3A_456 = tpu.memref_slice %arg4[%add3A_450, %dma_wait3A_455] : memref<1000000x64xf32, #tpu.memory_space<hbm>> -> memref<512x64xf32, #tpu.memory_space<hbm>>
      %dma_wait3A_457 = arith.constant 0 : i32
      %dma_wait3A_458 = tpu.memref_slice %arg4[%add3A_450, %dma_wait3A_457] : memref<1000000x64xf32, #tpu.memory_space<hbm>> -> memref<512x64xf32, #tpu.memory_space<hbm>>
      %dma_wait3A_459 = arith.constant 0 : i32
      %dma_wait3A_460 = arith.constant 0 : i32
      %dma_wait3A_461 = tpu.memref_slice %arg7[%select_n3A_447, %dma_wait3A_459, %dma_wait3A_460] : memref<2x512x64xf32, #tpu.memory_space<vmem>> -> memref<1x512x64xf32, #tpu.memory_space<vmem>>
      %dma_wait3A_462 = tpu.memref_squeeze %dma_wait3A_461 : memref<1x512x64xf32, #tpu.memory_space<vmem>> -> memref<512x64xf32, #tpu.memory_space<vmem>>
      tpu.wait_dma2 semaphore(%arg10 : memref<!tpu.dma_semaphore, #tpu.memory_space<semaphore_mem>>) src(%dma_wait3A_462 : memref<512x64xf32, #tpu.memory_space<vmem>>) dst(%dma_wait3A_458 : memref<512x64xf32, #tpu.memory_space<hbm>>)
      %mul3A_463 = arith.constant 4 : i32
      %mul3A_464 = arith.muli %scan3A_275, %mul3A_463 : i32
      %add3A_465 = arith.constant 0 : i32
      %add3A_466 = arith.addi %mul3A_464, %add3A_465 : i32
      %jit3A_467 = arith.constant 2 : i32
      %eq3A_468 = arith.constant 0 : i32
      %eq3A_469 = arith.cmpi eq, %jit3A_467, %eq3A_468 : i32
      %jit3A_470 = arith.constant 1 : i32
      %select_n3A_471 = arith.select %eq3A_469, %jit3A_470, %jit3A_467 : i32
      %rem3A_472 = arith.remsi %scan3A_275, %select_n3A_471 : i32
      %ne3A_473 = arith.constant 0 : i32
      %ne3A_474 = arith.cmpi ne, %rem3A_472, %ne3A_473 : i32
      %lt3A_475 = arith.constant 0 : i32
      %lt3A_476 = arith.cmpi slt, %rem3A_472, %lt3A_475 : i32
      %lt3A_477 = arith.constant 0 : i32
      %lt3A_478 = arith.cmpi slt, %select_n3A_471, %lt3A_477 : i32
      %ne3A_479 = arith.xori %lt3A_476, %lt3A_478 : i1
      %and3A_480 = arith.andi %ne3A_479, %ne3A_474 : i1
      %add3A_481 = arith.addi %rem3A_472, %select_n3A_471 : i32
      %select_n3A_482 = arith.select %and3A_480, %add3A_481, %rem3A_472 : i32
      %dma_start3A_483 = arith.constant 0 : i32
      %dma_start3A_484 = arith.constant 0 : i32
      %dma_start3A_485 = tpu.memref_slice %arg7[%select_n3A_482, %dma_start3A_483, %dma_start3A_484] : memref<2x512x64xf32, #tpu.memory_space<vmem>> -> memref<1x128x64xf32, #tpu.memory_space<vmem>>
      %dma_start3A_486 = tpu.memref_squeeze %dma_start3A_485 : memref<1x128x64xf32, #tpu.memory_space<vmem>> -> memref<128x64xf32, #tpu.memory_space<vmem>>
      %dma_start3A_487 = arith.constant 0 : i32
      %dma_start3A_488 = tpu.memref_slice %arg6[%add3A_466, %dma_start3A_487] : memref<249x128xi32, #tpu.memory_space<vmem>> -> memref<1x128xi32, #tpu.memory_space<vmem>>
      %dma_start3A_489 = tpu.memref_squeeze %dma_start3A_488 : memref<1x128xi32, #tpu.memory_space<vmem>> -> memref<128xi32, #tpu.memory_space<vmem>>
      %dma_start3A_490 = arith.constant 0 : i32
      %dma_start3A_491 = arith.constant 0 : i32
      %dma_start3A_492 = tpu.memref_slice %arg5[%dma_start3A_490, %dma_start3A_491] : memref<167x64xf32, #tpu.memory_space<vmem_shared>> -> memref<167x64xf32, #tpu.memory_space<vmem_shared>>
      tpu.enqueue_indirect_dma source(%dma_start3A_492 : memref<167x64xf32, #tpu.memory_space<vmem_shared>>) target(%dma_start3A_486 : memref<128x64xf32, #tpu.memory_space<vmem>>) offsets(%dma_start3A_489 : memref<128xi32, #tpu.memory_space<vmem>>) semaphore(%arg9 : memref<!tpu.dma_semaphore, #tpu.memory_space<semaphore_mem>>)
      %mul3A_493 = arith.constant 4 : i32
      %mul3A_494 = arith.muli %scan3A_275, %mul3A_493 : i32
      %add3A_495 = arith.constant 1 : i32
      %add3A_496 = arith.addi %mul3A_494, %add3A_495 : i32
      %jit3A_497 = arith.constant 2 : i32
      %eq3A_498 = arith.constant 0 : i32
      %eq3A_499 = arith.cmpi eq, %jit3A_497, %eq3A_498 : i32
      %jit3A_500 = arith.constant 1 : i32
      %select_n3A_501 = arith.select %eq3A_499, %jit3A_500, %jit3A_497 : i32
      %rem3A_502 = arith.remsi %scan3A_275, %select_n3A_501 : i32
      %ne3A_503 = arith.constant 0 : i32
      %ne3A_504 = arith.cmpi ne, %rem3A_502, %ne3A_503 : i32
      %lt3A_505 = arith.constant 0 : i32
      %lt3A_506 = arith.cmpi slt, %rem3A_502, %lt3A_505 : i32
      %lt3A_507 = arith.constant 0 : i32
      %lt3A_508 = arith.cmpi slt, %select_n3A_501, %lt3A_507 : i32
      %ne3A_509 = arith.xori %lt3A_506, %lt3A_508 : i1
      %and3A_510 = arith.andi %ne3A_509, %ne3A_504 : i1
      %add3A_511 = arith.addi %rem3A_502, %select_n3A_501 : i32
      %select_n3A_512 = arith.select %and3A_510, %add3A_511, %rem3A_502 : i32
      %dma_start3A_513 = arith.constant 128 : i32
      %dma_start3A_514 = arith.constant 0 : i32
      %dma_start3A_515 = tpu.memref_slice %arg7[%select_n3A_512, %dma_start3A_513, %dma_start3A_514] : memref<2x512x64xf32, #tpu.memory_space<vmem>> -> memref<1x128x64xf32, #tpu.memory_space<vmem>>
      %dma_start3A_516 = tpu.memref_squeeze %dma_start3A_515 : memref<1x128x64xf32, #tpu.memory_space<vmem>> -> memref<128x64xf32, #tpu.memory_space<vmem>>
      %dma_start3A_517 = arith.constant 0 : i32
      %dma_start3A_518 = tpu.memref_slice %arg6[%add3A_496, %dma_start3A_517] : memref<249x128xi32, #tpu.memory_space<vmem>> -> memref<1x128xi32, #tpu.memory_space<vmem>>
      %dma_start3A_519 = tpu.memref_squeeze %dma_start3A_518 : memref<1x128xi32, #tpu.memory_space<vmem>> -> memref<128xi32, #tpu.memory_space<vmem>>
      %dma_start3A_520 = arith.constant 0 : i32
      %dma_start3A_521 = arith.constant 0 : i32
      %dma_start3A_522 = tpu.memref_slice %arg5[%dma_start3A_520, %dma_start3A_521] : memref<167x64xf32, #tpu.memory_space<vmem_shared>> -> memref<167x64xf32, #tpu.memory_space<vmem_shared>>
      tpu.enqueue_indirect_dma source(%dma_start3A_522 : memref<167x64xf32, #tpu.memory_space<vmem_shared>>) target(%dma_start3A_516 : memref<128x64xf32, #tpu.memory_space<vmem>>) offsets(%dma_start3A_519 : memref<128xi32, #tpu.memory_space<vmem>>) semaphore(%arg9 : memref<!tpu.dma_semaphore, #tpu.memory_space<semaphore_mem>>)
      %mul3A_523 = arith.constant 4 : i32
      %mul3A_524 = arith.muli %scan3A_275, %mul3A_523 : i32
      %add3A_525 = arith.constant 2 : i32
      %add3A_526 = arith.addi %mul3A_524, %add3A_525 : i32
      %jit3A_527 = arith.constant 2 : i32
      %eq3A_528 = arith.constant 0 : i32
      %eq3A_529 = arith.cmpi eq, %jit3A_527, %eq3A_528 : i32
      %jit3A_530 = arith.constant 1 : i32
      %select_n3A_531 = arith.select %eq3A_529, %jit3A_530, %jit3A_527 : i32
      %rem3A_532 = arith.remsi %scan3A_275, %select_n3A_531 : i32
      %ne3A_533 = arith.constant 0 : i32
      %ne3A_534 = arith.cmpi ne, %rem3A_532, %ne3A_533 : i32
      %lt3A_535 = arith.constant 0 : i32
      %lt3A_536 = arith.cmpi slt, %rem3A_532, %lt3A_535 : i32
      %lt3A_537 = arith.constant 0 : i32
      %lt3A_538 = arith.cmpi slt, %select_n3A_531, %lt3A_537 : i32
      %ne3A_539 = arith.xori %lt3A_536, %lt3A_538 : i1
      %and3A_540 = arith.andi %ne3A_539, %ne3A_534 : i1
      %add3A_541 = arith.addi %rem3A_532, %select_n3A_531 : i32
      %select_n3A_542 = arith.select %and3A_540, %add3A_541, %rem3A_532 : i32
      %dma_start3A_543 = arith.constant 256 : i32
      %dma_start3A_544 = arith.constant 0 : i32
      %dma_start3A_545 = tpu.memref_slice %arg7[%select_n3A_542, %dma_start3A_543, %dma_start3A_544] : memref<2x512x64xf32, #tpu.memory_space<vmem>> -> memref<1x128x64xf32, #tpu.memory_space<vmem>>
      %dma_start3A_546 = tpu.memref_squeeze %dma_start3A_545 : memref<1x128x64xf32, #tpu.memory_space<vmem>> -> memref<128x64xf32, #tpu.memory_space<vmem>>
      %dma_start3A_547 = arith.constant 0 : i32
      %dma_start3A_548 = tpu.memref_slice %arg6[%add3A_526, %dma_start3A_547] : memref<249x128xi32, #tpu.memory_space<vmem>> -> memref<1x128xi32, #tpu.memory_space<vmem>>
      %dma_start3A_549 = tpu.memref_squeeze %dma_start3A_548 : memref<1x128xi32, #tpu.memory_space<vmem>> -> memref<128xi32, #tpu.memory_space<vmem>>
      %dma_start3A_550 = arith.constant 0 : i32
      %dma_start3A_551 = arith.constant 0 : i32
      %dma_start3A_552 = tpu.memref_slice %arg5[%dma_start3A_550, %dma_start3A_551] : memref<167x64xf32, #tpu.memory_space<vmem_shared>> -> memref<167x64xf32, #tpu.memory_space<vmem_shared>>
      tpu.enqueue_indirect_dma source(%dma_start3A_552 : memref<167x64xf32, #tpu.memory_space<vmem_shared>>) target(%dma_start3A_546 : memref<128x64xf32, #tpu.memory_space<vmem>>) offsets(%dma_start3A_549 : memref<128xi32, #tpu.memory_space<vmem>>) semaphore(%arg9 : memref<!tpu.dma_semaphore, #tpu.memory_space<semaphore_mem>>)
      %mul3A_553 = arith.constant 4 : i32
      %mul3A_554 = arith.muli %scan3A_275, %mul3A_553 : i32
      %add3A_555 = arith.constant 3 : i32
      %add3A_556 = arith.addi %mul3A_554, %add3A_555 : i32
      %jit3A_557 = arith.constant 2 : i32
      %eq3A_558 = arith.constant 0 : i32
      %eq3A_559 = arith.cmpi eq, %jit3A_557, %eq3A_558 : i32
      %jit3A_560 = arith.constant 1 : i32
      %select_n3A_561 = arith.select %eq3A_559, %jit3A_560, %jit3A_557 : i32
      %rem3A_562 = arith.remsi %scan3A_275, %select_n3A_561 : i32
      %ne3A_563 = arith.constant 0 : i32
      %ne3A_564 = arith.cmpi ne, %rem3A_562, %ne3A_563 : i32
      %lt3A_565 = arith.constant 0 : i32
      %lt3A_566 = arith.cmpi slt, %rem3A_562, %lt3A_565 : i32
      %lt3A_567 = arith.constant 0 : i32
      %lt3A_568 = arith.cmpi slt, %select_n3A_561, %lt3A_567 : i32
      %ne3A_569 = arith.xori %lt3A_566, %lt3A_568 : i1
      %and3A_570 = arith.andi %ne3A_569, %ne3A_564 : i1
      %add3A_571 = arith.addi %rem3A_562, %select_n3A_561 : i32
      %select_n3A_572 = arith.select %and3A_570, %add3A_571, %rem3A_562 : i32
      %dma_start3A_573 = arith.constant 384 : i32
      %dma_start3A_574 = arith.constant 0 : i32
      %dma_start3A_575 = tpu.memref_slice %arg7[%select_n3A_572, %dma_start3A_573, %dma_start3A_574] : memref<2x512x64xf32, #tpu.memory_space<vmem>> -> memref<1x128x64xf32, #tpu.memory_space<vmem>>
      %dma_start3A_576 = tpu.memref_squeeze %dma_start3A_575 : memref<1x128x64xf32, #tpu.memory_space<vmem>> -> memref<128x64xf32, #tpu.memory_space<vmem>>
      %dma_start3A_577 = arith.constant 0 : i32
      %dma_start3A_578 = tpu.memref_slice %arg6[%add3A_556, %dma_start3A_577] : memref<249x128xi32, #tpu.memory_space<vmem>> -> memref<1x128xi32, #tpu.memory_space<vmem>>
      %dma_start3A_579 = tpu.memref_squeeze %dma_start3A_578 : memref<1x128xi32, #tpu.memory_space<vmem>> -> memref<128xi32, #tpu.memory_space<vmem>>
      %dma_start3A_580 = arith.constant 0 : i32
      %dma_start3A_581 = arith.constant 0 : i32
      %dma_start3A_582 = tpu.memref_slice %arg5[%dma_start3A_580, %dma_start3A_581] : memref<167x64xf32, #tpu.memory_space<vmem_shared>> -> memref<167x64xf32, #tpu.memory_space<vmem_shared>>
      tpu.enqueue_indirect_dma source(%dma_start3A_582 : memref<167x64xf32, #tpu.memory_space<vmem_shared>>) target(%dma_start3A_576 : memref<128x64xf32, #tpu.memory_space<vmem>>) offsets(%dma_start3A_579 : memref<128xi32, #tpu.memory_space<vmem>>) semaphore(%arg9 : memref<!tpu.dma_semaphore, #tpu.memory_space<semaphore_mem>>)
    }
    %scan3A_176 = arith.constant 59 : i32
    %dma_wait3A_177 = arith.constant 240 : i32
    %dma_wait3A_178 = arith.constant 0 : i32
    %dma_wait3A_179 = arith.constant 0 : i32
    %dma_wait3A_180 = arith.constant 0 : i32
    %dma_wait3A_181 = tpu.memref_slice %arg7[%dma_wait3A_178, %dma_wait3A_179, %dma_wait3A_180] : memref<2x512x64xf32, #tpu.memory_space<vmem>> -> memref<1x128x64xf32, #tpu.memory_space<vmem>>
    %dma_wait3A_182 = tpu.memref_squeeze %dma_wait3A_181 : memref<1x128x64xf32, #tpu.memory_space<vmem>> -> memref<128x64xf32, #tpu.memory_space<vmem>>
    %dma_wait3A_183 = arith.constant 0 : i32
    %dma_wait3A_184 = tpu.memref_slice %arg6[%dma_wait3A_177, %dma_wait3A_183] : memref<249x128xi32, #tpu.memory_space<vmem>> -> memref<1x128xi32, #tpu.memory_space<vmem>>
    %dma_wait3A_185 = tpu.memref_squeeze %dma_wait3A_184 : memref<1x128xi32, #tpu.memory_space<vmem>> -> memref<128xi32, #tpu.memory_space<vmem>>
    %dma_wait3A_186 = arith.constant 0 : i32
    %dma_wait3A_187 = arith.constant 0 : i32
    %dma_wait3A_188 = tpu.memref_slice %arg5[%dma_wait3A_186, %dma_wait3A_187] : memref<167x64xf32, #tpu.memory_space<vmem_shared>> -> memref<167x64xf32, #tpu.memory_space<vmem_shared>>
    tpu.wait_indirect_dma semaphore(%arg9 : memref<!tpu.dma_semaphore, #tpu.memory_space<semaphore_mem>>) src(%dma_wait3A_188 : memref<167x64xf32, #tpu.memory_space<vmem_shared>>) dst(%dma_wait3A_182 : memref<128x64xf32, #tpu.memory_space<vmem>>)
    %dma_wait3A_189 = arith.constant 241 : i32
    %dma_wait3A_190 = arith.constant 0 : i32
    %dma_wait3A_191 = arith.constant 128 : i32
    %dma_wait3A_192 = arith.constant 0 : i32
    %dma_wait3A_193 = tpu.memref_slice %arg7[%dma_wait3A_190, %dma_wait3A_191, %dma_wait3A_192] : memref<2x512x64xf32, #tpu.memory_space<vmem>> -> memref<1x128x64xf32, #tpu.memory_space<vmem>>
    %dma_wait3A_194 = tpu.memref_squeeze %dma_wait3A_193 : memref<1x128x64xf32, #tpu.memory_space<vmem>> -> memref<128x64xf32, #tpu.memory_space<vmem>>
    %dma_wait3A_195 = arith.constant 0 : i32
    %dma_wait3A_196 = tpu.memref_slice %arg6[%dma_wait3A_189, %dma_wait3A_195] : memref<249x128xi32, #tpu.memory_space<vmem>> -> memref<1x128xi32, #tpu.memory_space<vmem>>
    %dma_wait3A_197 = tpu.memref_squeeze %dma_wait3A_196 : memref<1x128xi32, #tpu.memory_space<vmem>> -> memref<128xi32, #tpu.memory_space<vmem>>
    %dma_wait3A_198 = arith.constant 0 : i32
    %dma_wait3A_199 = arith.constant 0 : i32
    %dma_wait3A_200 = tpu.memref_slice %arg5[%dma_wait3A_198, %dma_wait3A_199] : memref<167x64xf32, #tpu.memory_space<vmem_shared>> -> memref<167x64xf32, #tpu.memory_space<vmem_shared>>
    tpu.wait_indirect_dma semaphore(%arg9 : memref<!tpu.dma_semaphore, #tpu.memory_space<semaphore_mem>>) src(%dma_wait3A_200 : memref<167x64xf32, #tpu.memory_space<vmem_shared>>) dst(%dma_wait3A_194 : memref<128x64xf32, #tpu.memory_space<vmem>>)
    %dma_wait3A_201 = arith.constant 242 : i32
    %dma_wait3A_202 = arith.constant 0 : i32
    %dma_wait3A_203 = arith.constant 256 : i32
    %dma_wait3A_204 = arith.constant 0 : i32
    %dma_wait3A_205 = tpu.memref_slice %arg7[%dma_wait3A_202, %dma_wait3A_203, %dma_wait3A_204] : memref<2x512x64xf32, #tpu.memory_space<vmem>> -> memref<1x128x64xf32, #tpu.memory_space<vmem>>
    %dma_wait3A_206 = tpu.memref_squeeze %dma_wait3A_205 : memref<1x128x64xf32, #tpu.memory_space<vmem>> -> memref<128x64xf32, #tpu.memory_space<vmem>>
    %dma_wait3A_207 = arith.constant 0 : i32
    %dma_wait3A_208 = tpu.memref_slice %arg6[%dma_wait3A_201, %dma_wait3A_207] : memref<249x128xi32, #tpu.memory_space<vmem>> -> memref<1x128xi32, #tpu.memory_space<vmem>>
    %dma_wait3A_209 = tpu.memref_squeeze %dma_wait3A_208 : memref<1x128xi32, #tpu.memory_space<vmem>> -> memref<128xi32, #tpu.memory_space<vmem>>
    %dma_wait3A_210 = arith.constant 0 : i32
    %dma_wait3A_211 = arith.constant 0 : i32
    %dma_wait3A_212 = tpu.memref_slice %arg5[%dma_wait3A_210, %dma_wait3A_211] : memref<167x64xf32, #tpu.memory_space<vmem_shared>> -> memref<167x64xf32, #tpu.memory_space<vmem_shared>>
    tpu.wait_indirect_dma semaphore(%arg9 : memref<!tpu.dma_semaphore, #tpu.memory_space<semaphore_mem>>) src(%dma_wait3A_212 : memref<167x64xf32, #tpu.memory_space<vmem_shared>>) dst(%dma_wait3A_206 : memref<128x64xf32, #tpu.memory_space<vmem>>)
    %dma_wait3A_213 = arith.constant 243 : i32
    %dma_wait3A_214 = arith.constant 0 : i32
    %dma_wait3A_215 = arith.constant 384 : i32
    %dma_wait3A_216 = arith.constant 0 : i32
    %dma_wait3A_217 = tpu.memref_slice %arg7[%dma_wait3A_214, %dma_wait3A_215, %dma_wait3A_216] : memref<2x512x64xf32, #tpu.memory_space<vmem>> -> memref<1x128x64xf32, #tpu.memory_space<vmem>>
    %dma_wait3A_218 = tpu.memref_squeeze %dma_wait3A_217 : memref<1x128x64xf32, #tpu.memory_space<vmem>> -> memref<128x64xf32, #tpu.memory_space<vmem>>
    %dma_wait3A_219 = arith.constant 0 : i32
    %dma_wait3A_220 = tpu.memref_slice %arg6[%dma_wait3A_213, %dma_wait3A_219] : memref<249x128xi32, #tpu.memory_space<vmem>> -> memref<1x128xi32, #tpu.memory_space<vmem>>
    %dma_wait3A_221 = tpu.memref_squeeze %dma_wait3A_220 : memref<1x128xi32, #tpu.memory_space<vmem>> -> memref<128xi32, #tpu.memory_space<vmem>>
    %dma_wait3A_222 = arith.constant 0 : i32
    %dma_wait3A_223 = arith.constant 0 : i32
    %dma_wait3A_224 = tpu.memref_slice %arg5[%dma_wait3A_222, %dma_wait3A_223] : memref<167x64xf32, #tpu.memory_space<vmem_shared>> -> memref<167x64xf32, #tpu.memory_space<vmem_shared>>
    tpu.wait_indirect_dma semaphore(%arg9 : memref<!tpu.dma_semaphore, #tpu.memory_space<semaphore_mem>>) src(%dma_wait3A_224 : memref<167x64xf32, #tpu.memory_space<vmem_shared>>) dst(%dma_wait3A_218 : memref<128x64xf32, #tpu.memory_space<vmem>>)
    %add3A_225 = arith.constant 30720 : i32
    %add3A_226 = arith.addi %mul3A_4, %add3A_225 : i32
    %dma_start3A_227 = arith.constant 0 : i32
    %dma_start3A_228 = arith.constant 0 : i32
    %dma_start3A_229 = arith.constant 0 : i32
    %dma_start3A_230 = tpu.memref_slice %arg7[%dma_start3A_227, %dma_start3A_228, %dma_start3A_229] : memref<2x512x64xf32, #tpu.memory_space<vmem>> -> memref<1x512x64xf32, #tpu.memory_space<vmem>>
    %dma_start3A_231 = tpu.memref_squeeze %dma_start3A_230 : memref<1x512x64xf32, #tpu.memory_space<vmem>> -> memref<512x64xf32, #tpu.memory_space<vmem>>
    %dma_start3A_232 = arith.constant 0 : i32
    %dma_start3A_233 = tpu.memref_slice %arg4[%add3A_226, %dma_start3A_232] : memref<1000000x64xf32, #tpu.memory_space<hbm>> -> memref<512x64xf32, #tpu.memory_space<hbm>>
    %dma_start3A_234 = arith.constant 0 : i32
    %dma_start3A_235 = tpu.memref_slice %arg4[%add3A_226, %dma_start3A_234] : memref<1000000x64xf32, #tpu.memory_space<hbm>> -> memref<512x64xf32, #tpu.memory_space<hbm>>
    %dma_start3A_236 = arith.constant 0 : i32
    %dma_start3A_237 = arith.constant 0 : i32
    %dma_start3A_238 = tpu.memref_slice %arg7[%dma_start3A_227, %dma_start3A_236, %dma_start3A_237] : memref<2x512x64xf32, #tpu.memory_space<vmem>> -> memref<1x512x64xf32, #tpu.memory_space<vmem>>
    %dma_start3A_239 = tpu.memref_squeeze %dma_start3A_238 : memref<1x512x64xf32, #tpu.memory_space<vmem>> -> memref<512x64xf32, #tpu.memory_space<vmem>>
    tpu.enqueue_dma source(%dma_start3A_239 : memref<512x64xf32, #tpu.memory_space<vmem>>) target(%dma_start3A_235 : memref<512x64xf32, #tpu.memory_space<hbm>>) target_semaphore(%arg10 : memref<!tpu.dma_semaphore, #tpu.memory_space<semaphore_mem>>)
    %add3A_240 = arith.constant 30208 : i32
    %add3A_241 = arith.addi %mul3A_4, %add3A_240 : i32
    %dma_wait3A_242 = arith.constant 1 : i32
    %dma_wait3A_243 = arith.constant 0 : i32
    %dma_wait3A_244 = arith.constant 0 : i32
    %dma_wait3A_245 = tpu.memref_slice %arg7[%dma_wait3A_242, %dma_wait3A_243, %dma_wait3A_244] : memref<2x512x64xf32, #tpu.memory_space<vmem>> -> memref<1x512x64xf32, #tpu.memory_space<vmem>>
    %dma_wait3A_246 = tpu.memref_squeeze %dma_wait3A_245 : memref<1x512x64xf32, #tpu.memory_space<vmem>> -> memref<512x64xf32, #tpu.memory_space<vmem>>
    %dma_wait3A_247 = arith.constant 0 : i32
    %dma_wait3A_248 = tpu.memref_slice %arg4[%add3A_241, %dma_wait3A_247] : memref<1000000x64xf32, #tpu.memory_space<hbm>> -> memref<512x64xf32, #tpu.memory_space<hbm>>
    %dma_wait3A_249 = arith.constant 0 : i32
    %dma_wait3A_250 = tpu.memref_slice %arg4[%add3A_241, %dma_wait3A_249] : memref<1000000x64xf32, #tpu.memory_space<hbm>> -> memref<512x64xf32, #tpu.memory_space<hbm>>
    %dma_wait3A_251 = arith.constant 0 : i32
    %dma_wait3A_252 = arith.constant 0 : i32
    %dma_wait3A_253 = tpu.memref_slice %arg7[%dma_wait3A_242, %dma_wait3A_251, %dma_wait3A_252] : memref<2x512x64xf32, #tpu.memory_space<vmem>> -> memref<1x512x64xf32, #tpu.memory_space<vmem>>
    %dma_wait3A_254 = tpu.memref_squeeze %dma_wait3A_253 : memref<1x512x64xf32, #tpu.memory_space<vmem>> -> memref<512x64xf32, #tpu.memory_space<vmem>>
    tpu.wait_dma2 semaphore(%arg10 : memref<!tpu.dma_semaphore, #tpu.memory_space<semaphore_mem>>) src(%dma_wait3A_254 : memref<512x64xf32, #tpu.memory_space<vmem>>) dst(%dma_wait3A_250 : memref<512x64xf32, #tpu.memory_space<hbm>>)
    %add3A_255 = arith.constant 30720 : i32
    %add3A_256 = arith.addi %mul3A_4, %add3A_255 : i32
    %dma_wait3A_257 = arith.constant 0 : i32
    %dma_wait3A_258 = arith.constant 0 : i32
    %dma_wait3A_259 = arith.constant 0 : i32
    %dma_wait3A_260 = tpu.memref_slice %arg7[%dma_wait3A_257, %dma_wait3A_258, %dma_wait3A_259] : memref<2x512x64xf32, #tpu.memory_space<vmem>> -> memref<1x512x64xf32, #tpu.memory_space<vmem>>
    %dma_wait3A_261 = tpu.memref_squeeze %dma_wait3A_260 : memref<1x512x64xf32, #tpu.memory_space<vmem>> -> memref<512x64xf32, #tpu.memory_space<vmem>>
    %dma_wait3A_262 = arith.constant 0 : i32
    %dma_wait3A_263 = tpu.memref_slice %arg4[%add3A_256, %dma_wait3A_262] : memref<1000000x64xf32, #tpu.memory_space<hbm>> -> memref<512x64xf32, #tpu.memory_space<hbm>>
    %dma_wait3A_264 = arith.constant 0 : i32
    %dma_wait3A_265 = tpu.memref_slice %arg4[%add3A_256, %dma_wait3A_264] : memref<1000000x64xf32, #tpu.memory_space<hbm>> -> memref<512x64xf32, #tpu.memory_space<hbm>>
    %dma_wait3A_266 = arith.constant 0 : i32
    %dma_wait3A_267 = arith.constant 0 : i32
    %dma_wait3A_268 = tpu.memref_slice %arg7[%dma_wait3A_257, %dma_wait3A_266, %dma_wait3A_267] : memref<2x512x64xf32, #tpu.memory_space<vmem>> -> memref<1x512x64xf32, #tpu.memory_space<vmem>>
    %dma_wait3A_269 = tpu.memref_squeeze %dma_wait3A_268 : memref<1x512x64xf32, #tpu.memory_space<vmem>> -> memref<512x64xf32, #tpu.memory_space<vmem>>
    tpu.wait_dma2 semaphore(%arg10 : memref<!tpu.dma_semaphore, #tpu.memory_space<semaphore_mem>>) src(%dma_wait3A_269 : memref<512x64xf32, #tpu.memory_space<vmem>>) dst(%dma_wait3A_265 : memref<512x64xf32, #tpu.memory_space<hbm>>)
    %eq3A_270 = arith.constant 31 : i32
    %eq3A_271 = arith.cmpi eq, %add3A, %eq3A_270 : i32
    %convert_element_type3A_272 = arith.extui %eq3A_271 : i1 to i32
    %cond3A_273 = arith.constant 0 : i32
    %cond3A_274 = arith.cmpi ne, %convert_element_type3A_272, %cond3A_273 : i32
    scf.if %cond3A_274 {
      %dma_start3A_275 = arith.constant 244 : i32
      %dma_start3A_276 = arith.constant 0 : i32
      %dma_start3A_277 = arith.constant 0 : i32
      %dma_start3A_278 = arith.constant 0 : i32
      %dma_start3A_279 = tpu.memref_slice %arg7[%dma_start3A_276, %dma_start3A_277, %dma_start3A_278] : memref<2x512x64xf32, #tpu.memory_space<vmem>> -> memref<1x128x64xf32, #tpu.memory_space<vmem>>
      %dma_start3A_280 = tpu.memref_squeeze %dma_start3A_279 : memref<1x128x64xf32, #tpu.memory_space<vmem>> -> memref<128x64xf32, #tpu.memory_space<vmem>>
      %dma_start3A_281 = arith.constant 0 : i32
      %dma_start3A_282 = tpu.memref_slice %arg6[%dma_start3A_275, %dma_start3A_281] : memref<249x128xi32, #tpu.memory_space<vmem>> -> memref<1x128xi32, #tpu.memory_space<vmem>>
      %dma_start3A_283 = tpu.memref_squeeze %dma_start3A_282 : memref<1x128xi32, #tpu.memory_space<vmem>> -> memref<128xi32, #tpu.memory_space<vmem>>
      %dma_start3A_284 = arith.constant 0 : i32
      %dma_start3A_285 = arith.constant 0 : i32
      %dma_start3A_286 = tpu.memref_slice %arg5[%dma_start3A_284, %dma_start3A_285] : memref<167x64xf32, #tpu.memory_space<vmem_shared>> -> memref<167x64xf32, #tpu.memory_space<vmem_shared>>
      tpu.enqueue_indirect_dma source(%dma_start3A_286 : memref<167x64xf32, #tpu.memory_space<vmem_shared>>) target(%dma_start3A_280 : memref<128x64xf32, #tpu.memory_space<vmem>>) offsets(%dma_start3A_283 : memref<128xi32, #tpu.memory_space<vmem>>) semaphore(%arg9 : memref<!tpu.dma_semaphore, #tpu.memory_space<semaphore_mem>>)
      %dma_wait3A_287 = arith.constant 244 : i32
      %dma_wait3A_288 = arith.constant 0 : i32
      %dma_wait3A_289 = arith.constant 0 : i32
      %dma_wait3A_290 = arith.constant 0 : i32
      %dma_wait3A_291 = tpu.memref_slice %arg7[%dma_wait3A_288, %dma_wait3A_289, %dma_wait3A_290] : memref<2x512x64xf32, #tpu.memory_space<vmem>> -> memref<1x128x64xf32, #tpu.memory_space<vmem>>
      %dma_wait3A_292 = tpu.memref_squeeze %dma_wait3A_291 : memref<1x128x64xf32, #tpu.memory_space<vmem>> -> memref<128x64xf32, #tpu.memory_space<vmem>>
      %dma_wait3A_293 = arith.constant 0 : i32
      %dma_wait3A_294 = tpu.memref_slice %arg6[%dma_wait3A_287, %dma_wait3A_293] : memref<249x128xi32, #tpu.memory_space<vmem>> -> memref<1x128xi32, #tpu.memory_space<vmem>>
      %dma_wait3A_295 = tpu.memref_squeeze %dma_wait3A_294 : memref<1x128xi32, #tpu.memory_space<vmem>> -> memref<128xi32, #tpu.memory_space<vmem>>
      %dma_wait3A_296 = arith.constant 0 : i32
      %dma_wait3A_297 = arith.constant 0 : i32
      %dma_wait3A_298 = tpu.memref_slice %arg5[%dma_wait3A_296, %dma_wait3A_297] : memref<167x64xf32, #tpu.memory_space<vmem_shared>> -> memref<167x64xf32, #tpu.memory_space<vmem_shared>>
      tpu.wait_indirect_dma semaphore(%arg9 : memref<!tpu.dma_semaphore, #tpu.memory_space<semaphore_mem>>) src(%dma_wait3A_298 : memref<167x64xf32, #tpu.memory_space<vmem_shared>>) dst(%dma_wait3A_292 : memref<128x64xf32, #tpu.memory_space<vmem>>)
      %run_scoped3A = arith.constant 0 : i32
      "tpu.region"() ({
        %run_scoped3A_399 = tpu.sem_alloc : memref<!tpu.dma_semaphore, #tpu.memory_space<semaphore_mem>>
        %dma_start3A_400 = arith.constant 0 : i32
        %dma_start3A_401 = arith.constant 0 : i32
        %dma_start3A_402 = tpu.memref_slice %arg7[%run_scoped3A, %dma_start3A_400, %dma_start3A_401] : memref<2x512x64xf32, #tpu.memory_space<vmem>> -> memref<1x128x64xf32, #tpu.memory_space<vmem>>
        %dma_start3A_403 = tpu.memref_squeeze %dma_start3A_402 : memref<1x128x64xf32, #tpu.memory_space<vmem>> -> memref<128x64xf32, #tpu.memory_space<vmem>>
        %dma_start3A_404 = arith.constant 999424 : i32
        %dma_start3A_405 = arith.constant 0 : i32
        %dma_start3A_406 = tpu.memref_slice %arg4[%dma_start3A_404, %dma_start3A_405] : memref<1000000x64xf32, #tpu.memory_space<hbm>> -> memref<128x64xf32, #tpu.memory_space<hbm>>
        %dma_start3A_407 = arith.constant 999424 : i32
        %dma_start3A_408 = arith.constant 0 : i32
        %dma_start3A_409 = tpu.memref_slice %arg4[%dma_start3A_407, %dma_start3A_408] : memref<1000000x64xf32, #tpu.memory_space<hbm>> -> memref<128x64xf32, #tpu.memory_space<hbm>>
        %dma_start3A_410 = arith.constant 0 : i32
        %dma_start3A_411 = arith.constant 0 : i32
        %dma_start3A_412 = tpu.memref_slice %arg7[%run_scoped3A, %dma_start3A_410, %dma_start3A_411] : memref<2x512x64xf32, #tpu.memory_space<vmem>> -> memref<1x128x64xf32, #tpu.memory_space<vmem>>
        %dma_start3A_413 = tpu.memref_squeeze %dma_start3A_412 : memref<1x128x64xf32, #tpu.memory_space<vmem>> -> memref<128x64xf32, #tpu.memory_space<vmem>>
        tpu.enqueue_dma source(%dma_start3A_413 : memref<128x64xf32, #tpu.memory_space<vmem>>) target(%dma_start3A_409 : memref<128x64xf32, #tpu.memory_space<hbm>>) target_semaphore(%run_scoped3A_399 : memref<!tpu.dma_semaphore, #tpu.memory_space<semaphore_mem>>)
        %dma_wait3A_414 = arith.constant 0 : i32
        %dma_wait3A_415 = arith.constant 0 : i32
        %dma_wait3A_416 = tpu.memref_slice %arg7[%run_scoped3A, %dma_wait3A_414, %dma_wait3A_415] : memref<2x512x64xf32, #tpu.memory_space<vmem>> -> memref<1x128x64xf32, #tpu.memory_space<vmem>>
        %dma_wait3A_417 = tpu.memref_squeeze %dma_wait3A_416 : memref<1x128x64xf32, #tpu.memory_space<vmem>> -> memref<128x64xf32, #tpu.memory_space<vmem>>
        %dma_wait3A_418 = arith.constant 999424 : i32
        %dma_wait3A_419 = arith.constant 0 : i32
        %dma_wait3A_420 = tpu.memref_slice %arg4[%dma_wait3A_418, %dma_wait3A_419] : memref<1000000x64xf32, #tpu.memory_space<hbm>> -> memref<128x64xf32, #tpu.memory_space<hbm>>
        %dma_wait3A_421 = arith.constant 999424 : i32
        %dma_wait3A_422 = arith.constant 0 : i32
        %dma_wait3A_423 = tpu.memref_slice %arg4[%dma_wait3A_421, %dma_wait3A_422] : memref<1000000x64xf32, #tpu.memory_space<hbm>> -> memref<128x64xf32, #tpu.memory_space<hbm>>
        %dma_wait3A_424 = arith.constant 0 : i32
        %dma_wait3A_425 = arith.constant 0 : i32
        %dma_wait3A_426 = tpu.memref_slice %arg7[%run_scoped3A, %dma_wait3A_424, %dma_wait3A_425] : memref<2x512x64xf32, #tpu.memory_space<vmem>> -> memref<1x128x64xf32, #tpu.memory_space<vmem>>
        %dma_wait3A_427 = tpu.memref_squeeze %dma_wait3A_426 : memref<1x128x64xf32, #tpu.memory_space<vmem>> -> memref<128x64xf32, #tpu.memory_space<vmem>>
        tpu.wait_dma2 semaphore(%run_scoped3A_399 : memref<!tpu.dma_semaphore, #tpu.memory_space<semaphore_mem>>) src(%dma_wait3A_427 : memref<128x64xf32, #tpu.memory_space<vmem>>) dst(%dma_wait3A_423 : memref<128x64xf32, #tpu.memory_space<hbm>>)
        tpu.yield
      }) : () -> ()
      %dma_start3A_299 = arith.constant 245 : i32
      %dma_start3A_300 = arith.constant 0 : i32
      %dma_start3A_301 = arith.constant 0 : i32
      %dma_start3A_302 = arith.constant 0 : i32
      %dma_start3A_303 = tpu.memref_slice %arg7[%dma_start3A_300, %dma_start3A_301, %dma_start3A_302] : memref<2x512x64xf32, #tpu.memory_space<vmem>> -> memref<1x128x64xf32, #tpu.memory_space<vmem>>
      %dma_start3A_304 = tpu.memref_squeeze %dma_start3A_303 : memref<1x128x64xf32, #tpu.memory_space<vmem>> -> memref<128x64xf32, #tpu.memory_space<vmem>>
      %dma_start3A_305 = arith.constant 0 : i32
      %dma_start3A_306 = tpu.memref_slice %arg6[%dma_start3A_299, %dma_start3A_305] : memref<249x128xi32, #tpu.memory_space<vmem>> -> memref<1x128xi32, #tpu.memory_space<vmem>>
      %dma_start3A_307 = tpu.memref_squeeze %dma_start3A_306 : memref<1x128xi32, #tpu.memory_space<vmem>> -> memref<128xi32, #tpu.memory_space<vmem>>
      %dma_start3A_308 = arith.constant 0 : i32
      %dma_start3A_309 = arith.constant 0 : i32
      %dma_start3A_310 = tpu.memref_slice %arg5[%dma_start3A_308, %dma_start3A_309] : memref<167x64xf32, #tpu.memory_space<vmem_shared>> -> memref<167x64xf32, #tpu.memory_space<vmem_shared>>
      tpu.enqueue_indirect_dma source(%dma_start3A_310 : memref<167x64xf32, #tpu.memory_space<vmem_shared>>) target(%dma_start3A_304 : memref<128x64xf32, #tpu.memory_space<vmem>>) offsets(%dma_start3A_307 : memref<128xi32, #tpu.memory_space<vmem>>) semaphore(%arg9 : memref<!tpu.dma_semaphore, #tpu.memory_space<semaphore_mem>>)
      %dma_wait3A_311 = arith.constant 245 : i32
      %dma_wait3A_312 = arith.constant 0 : i32
      %dma_wait3A_313 = arith.constant 0 : i32
      %dma_wait3A_314 = arith.constant 0 : i32
      %dma_wait3A_315 = tpu.memref_slice %arg7[%dma_wait3A_312, %dma_wait3A_313, %dma_wait3A_314] : memref<2x512x64xf32, #tpu.memory_space<vmem>> -> memref<1x128x64xf32, #tpu.memory_space<vmem>>
      %dma_wait3A_316 = tpu.memref_squeeze %dma_wait3A_315 : memref<1x128x64xf32, #tpu.memory_space<vmem>> -> memref<128x64xf32, #tpu.memory_space<vmem>>
      %dma_wait3A_317 = arith.constant 0 : i32
      %dma_wait3A_318 = tpu.memref_slice %arg6[%dma_wait3A_311, %dma_wait3A_317] : memref<249x128xi32, #tpu.memory_space<vmem>> -> memref<1x128xi32, #tpu.memory_space<vmem>>
      %dma_wait3A_319 = tpu.memref_squeeze %dma_wait3A_318 : memref<1x128xi32, #tpu.memory_space<vmem>> -> memref<128xi32, #tpu.memory_space<vmem>>
      %dma_wait3A_320 = arith.constant 0 : i32
      %dma_wait3A_321 = arith.constant 0 : i32
      %dma_wait3A_322 = tpu.memref_slice %arg5[%dma_wait3A_320, %dma_wait3A_321] : memref<167x64xf32, #tpu.memory_space<vmem_shared>> -> memref<167x64xf32, #tpu.memory_space<vmem_shared>>
      tpu.wait_indirect_dma semaphore(%arg9 : memref<!tpu.dma_semaphore, #tpu.memory_space<semaphore_mem>>) src(%dma_wait3A_322 : memref<167x64xf32, #tpu.memory_space<vmem_shared>>) dst(%dma_wait3A_316 : memref<128x64xf32, #tpu.memory_space<vmem>>)
      %run_scoped3A_323 = arith.constant 0 : i32
      "tpu.region"() ({
        %run_scoped3A_399 = tpu.sem_alloc : memref<!tpu.dma_semaphore, #tpu.memory_space<semaphore_mem>>
        %dma_start3A_400 = arith.constant 0 : i32
        %dma_start3A_401 = arith.constant 0 : i32
        %dma_start3A_402 = tpu.memref_slice %arg7[%run_scoped3A_323, %dma_start3A_400, %dma_start3A_401] : memref<2x512x64xf32, #tpu.memory_space<vmem>> -> memref<1x128x64xf32, #tpu.memory_space<vmem>>
        %dma_start3A_403 = tpu.memref_squeeze %dma_start3A_402 : memref<1x128x64xf32, #tpu.memory_space<vmem>> -> memref<128x64xf32, #tpu.memory_space<vmem>>
        %dma_start3A_404 = arith.constant 999552 : i32
        %dma_start3A_405 = arith.constant 0 : i32
        %dma_start3A_406 = tpu.memref_slice %arg4[%dma_start3A_404, %dma_start3A_405] : memref<1000000x64xf32, #tpu.memory_space<hbm>> -> memref<128x64xf32, #tpu.memory_space<hbm>>
        %dma_start3A_407 = arith.constant 999552 : i32
        %dma_start3A_408 = arith.constant 0 : i32
        %dma_start3A_409 = tpu.memref_slice %arg4[%dma_start3A_407, %dma_start3A_408] : memref<1000000x64xf32, #tpu.memory_space<hbm>> -> memref<128x64xf32, #tpu.memory_space<hbm>>
        %dma_start3A_410 = arith.constant 0 : i32
        %dma_start3A_411 = arith.constant 0 : i32
        %dma_start3A_412 = tpu.memref_slice %arg7[%run_scoped3A_323, %dma_start3A_410, %dma_start3A_411] : memref<2x512x64xf32, #tpu.memory_space<vmem>> -> memref<1x128x64xf32, #tpu.memory_space<vmem>>
        %dma_start3A_413 = tpu.memref_squeeze %dma_start3A_412 : memref<1x128x64xf32, #tpu.memory_space<vmem>> -> memref<128x64xf32, #tpu.memory_space<vmem>>
        tpu.enqueue_dma source(%dma_start3A_413 : memref<128x64xf32, #tpu.memory_space<vmem>>) target(%dma_start3A_409 : memref<128x64xf32, #tpu.memory_space<hbm>>) target_semaphore(%run_scoped3A_399 : memref<!tpu.dma_semaphore, #tpu.memory_space<semaphore_mem>>)
        %dma_wait3A_414 = arith.constant 0 : i32
        %dma_wait3A_415 = arith.constant 0 : i32
        %dma_wait3A_416 = tpu.memref_slice %arg7[%run_scoped3A_323, %dma_wait3A_414, %dma_wait3A_415] : memref<2x512x64xf32, #tpu.memory_space<vmem>> -> memref<1x128x64xf32, #tpu.memory_space<vmem>>
        %dma_wait3A_417 = tpu.memref_squeeze %dma_wait3A_416 : memref<1x128x64xf32, #tpu.memory_space<vmem>> -> memref<128x64xf32, #tpu.memory_space<vmem>>
        %dma_wait3A_418 = arith.constant 999552 : i32
        %dma_wait3A_419 = arith.constant 0 : i32
        %dma_wait3A_420 = tpu.memref_slice %arg4[%dma_wait3A_418, %dma_wait3A_419] : memref<1000000x64xf32, #tpu.memory_space<hbm>> -> memref<128x64xf32, #tpu.memory_space<hbm>>
        %dma_wait3A_421 = arith.constant 999552 : i32
        %dma_wait3A_422 = arith.constant 0 : i32
        %dma_wait3A_423 = tpu.memref_slice %arg4[%dma_wait3A_421, %dma_wait3A_422] : memref<1000000x64xf32, #tpu.memory_space<hbm>> -> memref<128x64xf32, #tpu.memory_space<hbm>>
        %dma_wait3A_424 = arith.constant 0 : i32
        %dma_wait3A_425 = arith.constant 0 : i32
        %dma_wait3A_426 = tpu.memref_slice %arg7[%run_scoped3A_323, %dma_wait3A_424, %dma_wait3A_425] : memref<2x512x64xf32, #tpu.memory_space<vmem>> -> memref<1x128x64xf32, #tpu.memory_space<vmem>>
        %dma_wait3A_427 = tpu.memref_squeeze %dma_wait3A_426 : memref<1x128x64xf32, #tpu.memory_space<vmem>> -> memref<128x64xf32, #tpu.memory_space<vmem>>
        tpu.wait_dma2 semaphore(%run_scoped3A_399 : memref<!tpu.dma_semaphore, #tpu.memory_space<semaphore_mem>>) src(%dma_wait3A_427 : memref<128x64xf32, #tpu.memory_space<vmem>>) dst(%dma_wait3A_423 : memref<128x64xf32, #tpu.memory_space<hbm>>)
        tpu.yield
      }) : () -> ()
      %dma_start3A_324 = arith.constant 246 : i32
      %dma_start3A_325 = arith.constant 0 : i32
      %dma_start3A_326 = arith.constant 0 : i32
      %dma_start3A_327 = arith.constant 0 : i32
      %dma_start3A_328 = tpu.memref_slice %arg7[%dma_start3A_325, %dma_start3A_326, %dma_start3A_327] : memref<2x512x64xf32, #tpu.memory_space<vmem>> -> memref<1x128x64xf32, #tpu.memory_space<vmem>>
      %dma_start3A_329 = tpu.memref_squeeze %dma_start3A_328 : memref<1x128x64xf32, #tpu.memory_space<vmem>> -> memref<128x64xf32, #tpu.memory_space<vmem>>
      %dma_start3A_330 = arith.constant 0 : i32
      %dma_start3A_331 = tpu.memref_slice %arg6[%dma_start3A_324, %dma_start3A_330] : memref<249x128xi32, #tpu.memory_space<vmem>> -> memref<1x128xi32, #tpu.memory_space<vmem>>
      %dma_start3A_332 = tpu.memref_squeeze %dma_start3A_331 : memref<1x128xi32, #tpu.memory_space<vmem>> -> memref<128xi32, #tpu.memory_space<vmem>>
      %dma_start3A_333 = arith.constant 0 : i32
      %dma_start3A_334 = arith.constant 0 : i32
      %dma_start3A_335 = tpu.memref_slice %arg5[%dma_start3A_333, %dma_start3A_334] : memref<167x64xf32, #tpu.memory_space<vmem_shared>> -> memref<167x64xf32, #tpu.memory_space<vmem_shared>>
      tpu.enqueue_indirect_dma source(%dma_start3A_335 : memref<167x64xf32, #tpu.memory_space<vmem_shared>>) target(%dma_start3A_329 : memref<128x64xf32, #tpu.memory_space<vmem>>) offsets(%dma_start3A_332 : memref<128xi32, #tpu.memory_space<vmem>>) semaphore(%arg9 : memref<!tpu.dma_semaphore, #tpu.memory_space<semaphore_mem>>)
      %dma_wait3A_336 = arith.constant 246 : i32
      %dma_wait3A_337 = arith.constant 0 : i32
      %dma_wait3A_338 = arith.constant 0 : i32
      %dma_wait3A_339 = arith.constant 0 : i32
      %dma_wait3A_340 = tpu.memref_slice %arg7[%dma_wait3A_337, %dma_wait3A_338, %dma_wait3A_339] : memref<2x512x64xf32, #tpu.memory_space<vmem>> -> memref<1x128x64xf32, #tpu.memory_space<vmem>>
      %dma_wait3A_341 = tpu.memref_squeeze %dma_wait3A_340 : memref<1x128x64xf32, #tpu.memory_space<vmem>> -> memref<128x64xf32, #tpu.memory_space<vmem>>
      %dma_wait3A_342 = arith.constant 0 : i32
      %dma_wait3A_343 = tpu.memref_slice %arg6[%dma_wait3A_336, %dma_wait3A_342] : memref<249x128xi32, #tpu.memory_space<vmem>> -> memref<1x128xi32, #tpu.memory_space<vmem>>
      %dma_wait3A_344 = tpu.memref_squeeze %dma_wait3A_343 : memref<1x128xi32, #tpu.memory_space<vmem>> -> memref<128xi32, #tpu.memory_space<vmem>>
      %dma_wait3A_345 = arith.constant 0 : i32
      %dma_wait3A_346 = arith.constant 0 : i32
      %dma_wait3A_347 = tpu.memref_slice %arg5[%dma_wait3A_345, %dma_wait3A_346] : memref<167x64xf32, #tpu.memory_space<vmem_shared>> -> memref<167x64xf32, #tpu.memory_space<vmem_shared>>
      tpu.wait_indirect_dma semaphore(%arg9 : memref<!tpu.dma_semaphore, #tpu.memory_space<semaphore_mem>>) src(%dma_wait3A_347 : memref<167x64xf32, #tpu.memory_space<vmem_shared>>) dst(%dma_wait3A_341 : memref<128x64xf32, #tpu.memory_space<vmem>>)
      %run_scoped3A_348 = arith.constant 0 : i32
      "tpu.region"() ({
        %run_scoped3A_399 = tpu.sem_alloc : memref<!tpu.dma_semaphore, #tpu.memory_space<semaphore_mem>>
        %dma_start3A_400 = arith.constant 0 : i32
        %dma_start3A_401 = arith.constant 0 : i32
        %dma_start3A_402 = tpu.memref_slice %arg7[%run_scoped3A_348, %dma_start3A_400, %dma_start3A_401] : memref<2x512x64xf32, #tpu.memory_space<vmem>> -> memref<1x128x64xf32, #tpu.memory_space<vmem>>
        %dma_start3A_403 = tpu.memref_squeeze %dma_start3A_402 : memref<1x128x64xf32, #tpu.memory_space<vmem>> -> memref<128x64xf32, #tpu.memory_space<vmem>>
        %dma_start3A_404 = arith.constant 999680 : i32
        %dma_start3A_405 = arith.constant 0 : i32
        %dma_start3A_406 = tpu.memref_slice %arg4[%dma_start3A_404, %dma_start3A_405] : memref<1000000x64xf32, #tpu.memory_space<hbm>> -> memref<128x64xf32, #tpu.memory_space<hbm>>
        %dma_start3A_407 = arith.constant 999680 : i32
        %dma_start3A_408 = arith.constant 0 : i32
        %dma_start3A_409 = tpu.memref_slice %arg4[%dma_start3A_407, %dma_start3A_408] : memref<1000000x64xf32, #tpu.memory_space<hbm>> -> memref<128x64xf32, #tpu.memory_space<hbm>>
        %dma_start3A_410 = arith.constant 0 : i32
        %dma_start3A_411 = arith.constant 0 : i32
        %dma_start3A_412 = tpu.memref_slice %arg7[%run_scoped3A_348, %dma_start3A_410, %dma_start3A_411] : memref<2x512x64xf32, #tpu.memory_space<vmem>> -> memref<1x128x64xf32, #tpu.memory_space<vmem>>
        %dma_start3A_413 = tpu.memref_squeeze %dma_start3A_412 : memref<1x128x64xf32, #tpu.memory_space<vmem>> -> memref<128x64xf32, #tpu.memory_space<vmem>>
        tpu.enqueue_dma source(%dma_start3A_413 : memref<128x64xf32, #tpu.memory_space<vmem>>) target(%dma_start3A_409 : memref<128x64xf32, #tpu.memory_space<hbm>>) target_semaphore(%run_scoped3A_399 : memref<!tpu.dma_semaphore, #tpu.memory_space<semaphore_mem>>)
        %dma_wait3A_414 = arith.constant 0 : i32
        %dma_wait3A_415 = arith.constant 0 : i32
        %dma_wait3A_416 = tpu.memref_slice %arg7[%run_scoped3A_348, %dma_wait3A_414, %dma_wait3A_415] : memref<2x512x64xf32, #tpu.memory_space<vmem>> -> memref<1x128x64xf32, #tpu.memory_space<vmem>>
        %dma_wait3A_417 = tpu.memref_squeeze %dma_wait3A_416 : memref<1x128x64xf32, #tpu.memory_space<vmem>> -> memref<128x64xf32, #tpu.memory_space<vmem>>
        %dma_wait3A_418 = arith.constant 999680 : i32
        %dma_wait3A_419 = arith.constant 0 : i32
        %dma_wait3A_420 = tpu.memref_slice %arg4[%dma_wait3A_418, %dma_wait3A_419] : memref<1000000x64xf32, #tpu.memory_space<hbm>> -> memref<128x64xf32, #tpu.memory_space<hbm>>
        %dma_wait3A_421 = arith.constant 999680 : i32
        %dma_wait3A_422 = arith.constant 0 : i32
        %dma_wait3A_423 = tpu.memref_slice %arg4[%dma_wait3A_421, %dma_wait3A_422] : memref<1000000x64xf32, #tpu.memory_space<hbm>> -> memref<128x64xf32, #tpu.memory_space<hbm>>
        %dma_wait3A_424 = arith.constant 0 : i32
        %dma_wait3A_425 = arith.constant 0 : i32
        %dma_wait3A_426 = tpu.memref_slice %arg7[%run_scoped3A_348, %dma_wait3A_424, %dma_wait3A_425] : memref<2x512x64xf32, #tpu.memory_space<vmem>> -> memref<1x128x64xf32, #tpu.memory_space<vmem>>
        %dma_wait3A_427 = tpu.memref_squeeze %dma_wait3A_426 : memref<1x128x64xf32, #tpu.memory_space<vmem>> -> memref<128x64xf32, #tpu.memory_space<vmem>>
        tpu.wait_dma2 semaphore(%run_scoped3A_399 : memref<!tpu.dma_semaphore, #tpu.memory_space<semaphore_mem>>) src(%dma_wait3A_427 : memref<128x64xf32, #tpu.memory_space<vmem>>) dst(%dma_wait3A_423 : memref<128x64xf32, #tpu.memory_space<hbm>>)
        tpu.yield
      }) : () -> ()
      %dma_start3A_349 = arith.constant 247 : i32
      %dma_start3A_350 = arith.constant 0 : i32
      %dma_start3A_351 = arith.constant 0 : i32
      %dma_start3A_352 = arith.constant 0 : i32
      %dma_start3A_353 = tpu.memref_slice %arg7[%dma_start3A_350, %dma_start3A_351, %dma_start3A_352] : memref<2x512x64xf32, #tpu.memory_space<vmem>> -> memref<1x128x64xf32, #tpu.memory_space<vmem>>
      %dma_start3A_354 = tpu.memref_squeeze %dma_start3A_353 : memref<1x128x64xf32, #tpu.memory_space<vmem>> -> memref<128x64xf32, #tpu.memory_space<vmem>>
      %dma_start3A_355 = arith.constant 0 : i32
      %dma_start3A_356 = tpu.memref_slice %arg6[%dma_start3A_349, %dma_start3A_355] : memref<249x128xi32, #tpu.memory_space<vmem>> -> memref<1x128xi32, #tpu.memory_space<vmem>>
      %dma_start3A_357 = tpu.memref_squeeze %dma_start3A_356 : memref<1x128xi32, #tpu.memory_space<vmem>> -> memref<128xi32, #tpu.memory_space<vmem>>
      %dma_start3A_358 = arith.constant 0 : i32
      %dma_start3A_359 = arith.constant 0 : i32
      %dma_start3A_360 = tpu.memref_slice %arg5[%dma_start3A_358, %dma_start3A_359] : memref<167x64xf32, #tpu.memory_space<vmem_shared>> -> memref<167x64xf32, #tpu.memory_space<vmem_shared>>
      tpu.enqueue_indirect_dma source(%dma_start3A_360 : memref<167x64xf32, #tpu.memory_space<vmem_shared>>) target(%dma_start3A_354 : memref<128x64xf32, #tpu.memory_space<vmem>>) offsets(%dma_start3A_357 : memref<128xi32, #tpu.memory_space<vmem>>) semaphore(%arg9 : memref<!tpu.dma_semaphore, #tpu.memory_space<semaphore_mem>>)
      %dma_wait3A_361 = arith.constant 247 : i32
      %dma_wait3A_362 = arith.constant 0 : i32
      %dma_wait3A_363 = arith.constant 0 : i32
      %dma_wait3A_364 = arith.constant 0 : i32
      %dma_wait3A_365 = tpu.memref_slice %arg7[%dma_wait3A_362, %dma_wait3A_363, %dma_wait3A_364] : memref<2x512x64xf32, #tpu.memory_space<vmem>> -> memref<1x128x64xf32, #tpu.memory_space<vmem>>
      %dma_wait3A_366 = tpu.memref_squeeze %dma_wait3A_365 : memref<1x128x64xf32, #tpu.memory_space<vmem>> -> memref<128x64xf32, #tpu.memory_space<vmem>>
      %dma_wait3A_367 = arith.constant 0 : i32
      %dma_wait3A_368 = tpu.memref_slice %arg6[%dma_wait3A_361, %dma_wait3A_367] : memref<249x128xi32, #tpu.memory_space<vmem>> -> memref<1x128xi32, #tpu.memory_space<vmem>>
      %dma_wait3A_369 = tpu.memref_squeeze %dma_wait3A_368 : memref<1x128xi32, #tpu.memory_space<vmem>> -> memref<128xi32, #tpu.memory_space<vmem>>
      %dma_wait3A_370 = arith.constant 0 : i32
      %dma_wait3A_371 = arith.constant 0 : i32
      %dma_wait3A_372 = tpu.memref_slice %arg5[%dma_wait3A_370, %dma_wait3A_371] : memref<167x64xf32, #tpu.memory_space<vmem_shared>> -> memref<167x64xf32, #tpu.memory_space<vmem_shared>>
      tpu.wait_indirect_dma semaphore(%arg9 : memref<!tpu.dma_semaphore, #tpu.memory_space<semaphore_mem>>) src(%dma_wait3A_372 : memref<167x64xf32, #tpu.memory_space<vmem_shared>>) dst(%dma_wait3A_366 : memref<128x64xf32, #tpu.memory_space<vmem>>)
      %run_scoped3A_373 = arith.constant 0 : i32
      "tpu.region"() ({
        %run_scoped3A_399 = tpu.sem_alloc : memref<!tpu.dma_semaphore, #tpu.memory_space<semaphore_mem>>
        %dma_start3A_400 = arith.constant 0 : i32
        %dma_start3A_401 = arith.constant 0 : i32
        %dma_start3A_402 = tpu.memref_slice %arg7[%run_scoped3A_373, %dma_start3A_400, %dma_start3A_401] : memref<2x512x64xf32, #tpu.memory_space<vmem>> -> memref<1x128x64xf32, #tpu.memory_space<vmem>>
        %dma_start3A_403 = tpu.memref_squeeze %dma_start3A_402 : memref<1x128x64xf32, #tpu.memory_space<vmem>> -> memref<128x64xf32, #tpu.memory_space<vmem>>
        %dma_start3A_404 = arith.constant 999808 : i32
        %dma_start3A_405 = arith.constant 0 : i32
        %dma_start3A_406 = tpu.memref_slice %arg4[%dma_start3A_404, %dma_start3A_405] : memref<1000000x64xf32, #tpu.memory_space<hbm>> -> memref<128x64xf32, #tpu.memory_space<hbm>>
        %dma_start3A_407 = arith.constant 999808 : i32
        %dma_start3A_408 = arith.constant 0 : i32
        %dma_start3A_409 = tpu.memref_slice %arg4[%dma_start3A_407, %dma_start3A_408] : memref<1000000x64xf32, #tpu.memory_space<hbm>> -> memref<128x64xf32, #tpu.memory_space<hbm>>
        %dma_start3A_410 = arith.constant 0 : i32
        %dma_start3A_411 = arith.constant 0 : i32
        %dma_start3A_412 = tpu.memref_slice %arg7[%run_scoped3A_373, %dma_start3A_410, %dma_start3A_411] : memref<2x512x64xf32, #tpu.memory_space<vmem>> -> memref<1x128x64xf32, #tpu.memory_space<vmem>>
        %dma_start3A_413 = tpu.memref_squeeze %dma_start3A_412 : memref<1x128x64xf32, #tpu.memory_space<vmem>> -> memref<128x64xf32, #tpu.memory_space<vmem>>
        tpu.enqueue_dma source(%dma_start3A_413 : memref<128x64xf32, #tpu.memory_space<vmem>>) target(%dma_start3A_409 : memref<128x64xf32, #tpu.memory_space<hbm>>) target_semaphore(%run_scoped3A_399 : memref<!tpu.dma_semaphore, #tpu.memory_space<semaphore_mem>>)
        %dma_wait3A_414 = arith.constant 0 : i32
        %dma_wait3A_415 = arith.constant 0 : i32
        %dma_wait3A_416 = tpu.memref_slice %arg7[%run_scoped3A_373, %dma_wait3A_414, %dma_wait3A_415] : memref<2x512x64xf32, #tpu.memory_space<vmem>> -> memref<1x128x64xf32, #tpu.memory_space<vmem>>
        %dma_wait3A_417 = tpu.memref_squeeze %dma_wait3A_416 : memref<1x128x64xf32, #tpu.memory_space<vmem>> -> memref<128x64xf32, #tpu.memory_space<vmem>>
        %dma_wait3A_418 = arith.constant 999808 : i32
        %dma_wait3A_419 = arith.constant 0 : i32
        %dma_wait3A_420 = tpu.memref_slice %arg4[%dma_wait3A_418, %dma_wait3A_419] : memref<1000000x64xf32, #tpu.memory_space<hbm>> -> memref<128x64xf32, #tpu.memory_space<hbm>>
        %dma_wait3A_421 = arith.constant 999808 : i32
        %dma_wait3A_422 = arith.constant 0 : i32
        %dma_wait3A_423 = tpu.memref_slice %arg4[%dma_wait3A_421, %dma_wait3A_422] : memref<1000000x64xf32, #tpu.memory_space<hbm>> -> memref<128x64xf32, #tpu.memory_space<hbm>>
        %dma_wait3A_424 = arith.constant 0 : i32
        %dma_wait3A_425 = arith.constant 0 : i32
        %dma_wait3A_426 = tpu.memref_slice %arg7[%run_scoped3A_373, %dma_wait3A_424, %dma_wait3A_425] : memref<2x512x64xf32, #tpu.memory_space<vmem>> -> memref<1x128x64xf32, #tpu.memory_space<vmem>>
        %dma_wait3A_427 = tpu.memref_squeeze %dma_wait3A_426 : memref<1x128x64xf32, #tpu.memory_space<vmem>> -> memref<128x64xf32, #tpu.memory_space<vmem>>
        tpu.wait_dma2 semaphore(%run_scoped3A_399 : memref<!tpu.dma_semaphore, #tpu.memory_space<semaphore_mem>>) src(%dma_wait3A_427 : memref<128x64xf32, #tpu.memory_space<vmem>>) dst(%dma_wait3A_423 : memref<128x64xf32, #tpu.memory_space<hbm>>)
        tpu.yield
      }) : () -> ()
      %dma_start3A_374 = arith.constant 248 : i32
      %dma_start3A_375 = arith.constant 0 : i32
      %dma_start3A_376 = arith.constant 0 : i32
      %dma_start3A_377 = arith.constant 0 : i32
      %dma_start3A_378 = tpu.memref_slice %arg7[%dma_start3A_375, %dma_start3A_376, %dma_start3A_377] : memref<2x512x64xf32, #tpu.memory_space<vmem>> -> memref<1x128x64xf32, #tpu.memory_space<vmem>>
      %dma_start3A_379 = tpu.memref_squeeze %dma_start3A_378 : memref<1x128x64xf32, #tpu.memory_space<vmem>> -> memref<128x64xf32, #tpu.memory_space<vmem>>
      %dma_start3A_380 = arith.constant 0 : i32
      %dma_start3A_381 = tpu.memref_slice %arg6[%dma_start3A_374, %dma_start3A_380] : memref<249x128xi32, #tpu.memory_space<vmem>> -> memref<1x128xi32, #tpu.memory_space<vmem>>
      %dma_start3A_382 = tpu.memref_squeeze %dma_start3A_381 : memref<1x128xi32, #tpu.memory_space<vmem>> -> memref<128xi32, #tpu.memory_space<vmem>>
      %dma_start3A_383 = arith.constant 0 : i32
      %dma_start3A_384 = arith.constant 0 : i32
      %dma_start3A_385 = tpu.memref_slice %arg5[%dma_start3A_383, %dma_start3A_384] : memref<167x64xf32, #tpu.memory_space<vmem_shared>> -> memref<167x64xf32, #tpu.memory_space<vmem_shared>>
      tpu.enqueue_indirect_dma source(%dma_start3A_385 : memref<167x64xf32, #tpu.memory_space<vmem_shared>>) target(%dma_start3A_379 : memref<128x64xf32, #tpu.memory_space<vmem>>) offsets(%dma_start3A_382 : memref<128xi32, #tpu.memory_space<vmem>>) semaphore(%arg9 : memref<!tpu.dma_semaphore, #tpu.memory_space<semaphore_mem>>)
      %dma_wait3A_386 = arith.constant 248 : i32
      %dma_wait3A_387 = arith.constant 0 : i32
      %dma_wait3A_388 = arith.constant 0 : i32
      %dma_wait3A_389 = arith.constant 0 : i32
      %dma_wait3A_390 = tpu.memref_slice %arg7[%dma_wait3A_387, %dma_wait3A_388, %dma_wait3A_389] : memref<2x512x64xf32, #tpu.memory_space<vmem>> -> memref<1x128x64xf32, #tpu.memory_space<vmem>>
      %dma_wait3A_391 = tpu.memref_squeeze %dma_wait3A_390 : memref<1x128x64xf32, #tpu.memory_space<vmem>> -> memref<128x64xf32, #tpu.memory_space<vmem>>
      %dma_wait3A_392 = arith.constant 0 : i32
      %dma_wait3A_393 = tpu.memref_slice %arg6[%dma_wait3A_386, %dma_wait3A_392] : memref<249x128xi32, #tpu.memory_space<vmem>> -> memref<1x128xi32, #tpu.memory_space<vmem>>
      %dma_wait3A_394 = tpu.memref_squeeze %dma_wait3A_393 : memref<1x128xi32, #tpu.memory_space<vmem>> -> memref<128xi32, #tpu.memory_space<vmem>>
      %dma_wait3A_395 = arith.constant 0 : i32
      %dma_wait3A_396 = arith.constant 0 : i32
      %dma_wait3A_397 = tpu.memref_slice %arg5[%dma_wait3A_395, %dma_wait3A_396] : memref<167x64xf32, #tpu.memory_space<vmem_shared>> -> memref<167x64xf32, #tpu.memory_space<vmem_shared>>
      tpu.wait_indirect_dma semaphore(%arg9 : memref<!tpu.dma_semaphore, #tpu.memory_space<semaphore_mem>>) src(%dma_wait3A_397 : memref<167x64xf32, #tpu.memory_space<vmem_shared>>) dst(%dma_wait3A_391 : memref<128x64xf32, #tpu.memory_space<vmem>>)
      %run_scoped3A_398 = arith.constant 0 : i32
      "tpu.region"() ({
        %run_scoped3A_399 = tpu.sem_alloc : memref<!tpu.dma_semaphore, #tpu.memory_space<semaphore_mem>>
        %dma_start3A_400 = arith.constant 0 : i32
        %dma_start3A_401 = arith.constant 0 : i32
        %dma_start3A_402 = tpu.memref_slice %arg7[%run_scoped3A_398, %dma_start3A_400, %dma_start3A_401] : memref<2x512x64xf32, #tpu.memory_space<vmem>> -> memref<1x64x64xf32, #tpu.memory_space<vmem>>
        %dma_start3A_403 = tpu.memref_squeeze %dma_start3A_402 : memref<1x64x64xf32, #tpu.memory_space<vmem>> -> memref<64x64xf32, #tpu.memory_space<vmem>>
        %dma_start3A_404 = arith.constant 999936 : i32
        %dma_start3A_405 = arith.constant 0 : i32
        %dma_start3A_406 = tpu.memref_slice %arg4[%dma_start3A_404, %dma_start3A_405] : memref<1000000x64xf32, #tpu.memory_space<hbm>> -> memref<64x64xf32, #tpu.memory_space<hbm>>
        %dma_start3A_407 = arith.constant 999936 : i32
        %dma_start3A_408 = arith.constant 0 : i32
        %dma_start3A_409 = tpu.memref_slice %arg4[%dma_start3A_407, %dma_start3A_408] : memref<1000000x64xf32, #tpu.memory_space<hbm>> -> memref<64x64xf32, #tpu.memory_space<hbm>>
        %dma_start3A_410 = arith.constant 0 : i32
        %dma_start3A_411 = arith.constant 0 : i32
        %dma_start3A_412 = tpu.memref_slice %arg7[%run_scoped3A_398, %dma_start3A_410, %dma_start3A_411] : memref<2x512x64xf32, #tpu.memory_space<vmem>> -> memref<1x64x64xf32, #tpu.memory_space<vmem>>
        %dma_start3A_413 = tpu.memref_squeeze %dma_start3A_412 : memref<1x64x64xf32, #tpu.memory_space<vmem>> -> memref<64x64xf32, #tpu.memory_space<vmem>>
        tpu.enqueue_dma source(%dma_start3A_413 : memref<64x64xf32, #tpu.memory_space<vmem>>) target(%dma_start3A_409 : memref<64x64xf32, #tpu.memory_space<hbm>>) target_semaphore(%run_scoped3A_399 : memref<!tpu.dma_semaphore, #tpu.memory_space<semaphore_mem>>)
        %dma_wait3A_414 = arith.constant 0 : i32
        %dma_wait3A_415 = arith.constant 0 : i32
        %dma_wait3A_416 = tpu.memref_slice %arg7[%run_scoped3A_398, %dma_wait3A_414, %dma_wait3A_415] : memref<2x512x64xf32, #tpu.memory_space<vmem>> -> memref<1x64x64xf32, #tpu.memory_space<vmem>>
        %dma_wait3A_417 = tpu.memref_squeeze %dma_wait3A_416 : memref<1x64x64xf32, #tpu.memory_space<vmem>> -> memref<64x64xf32, #tpu.memory_space<vmem>>
        %dma_wait3A_418 = arith.constant 999936 : i32
        %dma_wait3A_419 = arith.constant 0 : i32
        %dma_wait3A_420 = tpu.memref_slice %arg4[%dma_wait3A_418, %dma_wait3A_419] : memref<1000000x64xf32, #tpu.memory_space<hbm>> -> memref<64x64xf32, #tpu.memory_space<hbm>>
        %dma_wait3A_421 = arith.constant 999936 : i32
        %dma_wait3A_422 = arith.constant 0 : i32
        %dma_wait3A_423 = tpu.memref_slice %arg4[%dma_wait3A_421, %dma_wait3A_422] : memref<1000000x64xf32, #tpu.memory_space<hbm>> -> memref<64x64xf32, #tpu.memory_space<hbm>>
        %dma_wait3A_424 = arith.constant 0 : i32
        %dma_wait3A_425 = arith.constant 0 : i32
        %dma_wait3A_426 = tpu.memref_slice %arg7[%run_scoped3A_398, %dma_wait3A_424, %dma_wait3A_425] : memref<2x512x64xf32, #tpu.memory_space<vmem>> -> memref<1x64x64xf32, #tpu.memory_space<vmem>>
        %dma_wait3A_427 = tpu.memref_squeeze %dma_wait3A_426 : memref<1x64x64xf32, #tpu.memory_space<vmem>> -> memref<64x64xf32, #tpu.memory_space<vmem>>
        tpu.wait_dma2 semaphore(%run_scoped3A_399 : memref<!tpu.dma_semaphore, #tpu.memory_space<semaphore_mem>>) src(%dma_wait3A_427 : memref<64x64xf32, #tpu.memory_space<vmem>>) dst(%dma_wait3A_423 : memref<64x64xf32, #tpu.memory_space<hbm>>)
        tpu.yield
      }) : () -> ()
    } else {
    }
    return
  }
}

</mosaic_0001>

<sc_bundles>
// kernel: kernel.3.cloned.1.call-start
scs
__scs_entry_jumppad:
0x0: {  	(pc) =	sbr.rel $0x88, $3  }
0x1: {  	(tag) =	ssettag $0x0;
	lr =	simm.s32 $0x1  }
0x2: {  	[smem:$0x3F9F] =	sst lr;
	_ =	strace $0xD0000000  }
0x3: {  	_ = 	snop  }
0x4: {  	_ = 	snop  }
0x5: {  	_ = 	snop  }
0x6: {  	_ = 	snop  }
0x7: {  	_ = 	snop  }
__scs_overlays_trampoline_lowered:
0x8: {  	[smem:$0x3FAE] =	sst s0  }
0x9: {  	[smem:$0x3FAF] =	sst s1  }
0xa: {  	[smem:$0x3FB0] =	sst s2  }
0xb: {  	[smem:$0x3FB1] =	sst s3  }
0xc: {  	[smem:$0x3FB2] =	sst s4  }
0xd: {  	[smem:$0x3FB3] =	sst s5  }
0xe: {  	[smem:$0x3FB4] =	sst s6  }
0xf: {  	[smem:$0x3FB5] =	sst s7  }
0x10: {  	[smem:$0x3FB6] =	sst s8  }
0x11: {  	[smem:$0x3FB7] =	sst s9;
	s0 =	simm.s32 @!p0 $0x0  }
0x12: {  	s1 =	sld [smem:$0x3F9D];
	s0 =	simm.s32 @p0 $0x1  }
0x13: {  	[smem:$0x3FB8] =	sst s0;
	s0 =	simm.s32 @!p1 $0x0  }
0x14: {  	s2 =	sld [smem:$0x3F9C];
	s0 =	simm.s32 @p1 $0x1  }
0x15: {  	[smem:$0x3FB9] =	sst s0;
	s0 =	simm.s32 @!p2 $0x0  }
0x16: {  	s3 =	sld [smem:$0x3FDB];
	s0 =	simm.s32 @p2 $0x1  }
0x17: {  	s4 =	simm.s32 $0x1BF5;
	[smem:$0x3FBB] =	sst s0  }
0x18: {  	s0 =	sld [smem:$0x3F9E];
	_ =	swait.ge [sflag:s4], $0x0  }
0x19: {  	s7 =	sld [smem:$0x3F9F]  }
0x1a: {  	s8 =	sadd.s32 $0xFFFFE003, lr  }
0x1b: {  	s9 =	sadd.s32 $0xFFFFFEF7, lr;
	s5 =	simm.s32 $0xFFFFFFFF;
	p2 =	slt.u32 s8, $0xFFFFF086  }
0x1c: {  	p1 =	slt.u32 s9, $0xF7A;
	s5 =	simm.s32 @!p2 $0x0  }
0x1d: {  	s5 =	simm.s32 @p1 $0x1;
	p0 =	seq.s32 s7, s2  }
0x1e: {  	s7 =	smul.u32 @!p0 $0xF7A, s2;
	p2 =	seq.s32 @!p0 s5, $0x0  }
0x1f: {  	s9 =	smul.u32 $0xF7A, s1;
	s8 =	simm.s32 @!p0 $0x1BF5;
	p2 =	por !p2, p0  }
0x20: {  	[sflag:s8] =	ssyncset.s32 @!p0 $0xFFFFF086;
	s6 =	sadd.s32 @!p0 s3, s7;
	s7 =	simm.s32 @!p0 $0x108  }
0x21: {  	s3 =	sadd.s32 s3, s9;
	s6 =	sadd.s32 @!p0 $0x88, s6;
	s7 =	simm.s32 @p2 $0x1082  }
0x22: {  	[simem:s7], [sflag:s8] =	dma.local @!p0 [hbm:s6], $0xF7A  }
0x23: {  	s9 =	sor.u32 $0xD0000000, s2;
	s6 =	simm.s32 $0x108;
	_ =	swait.ge @!p0 [sflag:s8], $0x0  }
0x24: {  	s3 =	sadd.s32 $0x88, s3;
	s6 =	simm.s32 @!p1 $0x1082;
	[sflag:s4] =	ssyncset.s32 $0xFFFFF086  }
0x25: {  	[simem:s6], [sflag:s4] =	dma.local [hbm:s3], $0xF7A  }
0x26: {  	[smem:$0x3F9F] =	sst s1;
	(tag) =	ssettag s2;
	_ =	strace s9  }
0x27: {  	s1 =	sld [smem:$0x3FAF]  }
0x28: {  	s2 =	sld [smem:$0x3FB0]  }
0x29: {  	s4 =	sld [smem:$0x3FB2]  }
0x2a: {  	p0 =	seq.s32 s5, $0x0;
	s5 =	sld [smem:$0x3FB3]  }
0x2b: {  	s6 =	sld [smem:$0x3FB4]  }
0x2c: {  	s7 =	sld [smem:$0x3FB5]  }
0x2d: {  	s3 =	simm.s32 $0x108;
	s8 =	sld [smem:$0x3FB6]  }
0x2e: {  	s3 =	simm.s32 @!p0 $0x1082;
	s9 =	sld [smem:$0x3FB7]  }
0x2f: {  	lr =	sadd.s32 s0, s3;
	s0 =	sld [smem:$0x3FAE]  }
0x30: {  	s3 =	sld [smem:$0x3FB1]  }
0x31: {  	[smem:$0x3FBA] =	sst s10  }
0x32: {  	s10 =	sld [smem:$0x3FB8];
	_ =	sdelay $0x3  }
0x33: {  	p0 =	seq.s32 s10, $0x1;
	s10 =	sld [smem:$0x3FBA];
	_ =	sdelay $0x3  }
0x34: {  	[smem:$0x3FBA] =	sst s10  }
0x35: {  	s10 =	sld [smem:$0x3FB9];
	_ =	sdelay $0x3  }
0x36: {  	p1 =	seq.s32 s10, $0x1;
	s10 =	sld [smem:$0x3FBA];
	_ =	sdelay $0x3  }
0x37: {  	[smem:$0x3FBA] =	sst s10  }
0x38: {  	s10 =	sld [smem:$0x3FBB]  }
0x39: {  	_ = 	snop;
	(pc) =	sbr.ind lr, $3  }
0x3a: {  	_ = 	snop  }
0x3b: {  	_ = 	snop  }
0x3c: {  	p2 =	seq.s32 s10, $0x1;
	s10 =	sld [smem:$0x3FBA]  }
0x3d: {  	_ =	shalt  }
0x3e: {  	_ =	shalt  }
0x3f: {  	_ =	shalt  }
0x40: {  	_ =	shalt  }
0x41: {  	_ =	shalt  }
0x42: {  	_ =	shalt  }
0x43: {  	_ =	shalt  }
0x44: {  	_ =	shalt  }
0x45: {  	_ =	shalt  }
0x46: {  	_ =	shalt  }
0x47: {  	_ =	shalt  }
0x48: {  	_ =	shalt  }
0x49: {  	_ =	shalt  }
0x4a: {  	_ =	shalt  }
0x4b: {  	_ =	shalt  }
0x4c: {  	_ =	shalt  }
0x4d: {  	_ =	shalt  }
0x4e: {  	_ =	shalt  }
0x4f: {  	_ =	shalt  }
0x50: {  	_ =	shalt  }
0x51: {  	_ =	shalt  }
0x52: {  	_ =	shalt  }
0x53: {  	_ =	shalt  }
0x54: {  	_ =	shalt  }
0x55: {  	_ =	shalt  }
0x56: {  	_ =	shalt  }
0x57: {  	_ =	shalt  }
0x58: {  	_ =	shalt  }
0x59: {  	_ =	shalt  }
0x5a: {  	_ =	shalt  }
0x5b: {  	_ =	shalt  }
0x5c: {  	_ =	shalt  }
0x5d: {  	_ =	shalt  }
0x5e: {  	_ =	shalt  }
0x5f: {  	_ =	shalt  }
0x60: {  	_ =	shalt  }
0x61: {  	_ =	shalt  }
0x62: {  	_ =	shalt  }
0x63: {  	_ =	shalt  }
0x64: {  	_ =	shalt  }
0x65: {  	_ =	shalt  }
0x66: {  	_ =	shalt  }
0x67: {  	_ =	shalt  }
0x68: {  	_ =	shalt  }
0x69: {  	_ =	shalt  }
0x6a: {  	_ =	shalt  }
0x6b: {  	_ =	shalt  }
0x6c: {  	_ =	shalt  }
0x6d: {  	_ =	shalt  }
0x6e: {  	_ =	shalt  }
0x6f: {  	_ =	shalt  }
0x70: {  	_ =	shalt  }
0x71: {  	_ =	shalt  }
0x72: {  	_ =	shalt  }
0x73: {  	_ =	shalt  }
0x74: {  	_ =	shalt  }
0x75: {  	_ =	shalt  }
0x76: {  	_ =	shalt  }
0x77: {  	_ =	shalt  }
0x78: {  	_ =	shalt  }
0x79: {  	_ =	shalt  }
0x7a: {  	_ =	shalt  }
0x7b: {  	_ =	shalt  }
0x7c: {  	_ =	shalt  }
0x7d: {  	_ =	shalt  }
0x7e: {  	_ =	shalt  }
0x7f: {  	_ =	shalt  }
0x80: {  	_ =	shalt  }
0x81: {  	_ =	shalt  }
0x82: {  	_ =	shalt  }
0x83: {  	_ =	shalt  }
0x84: {  	_ =	shalt  }
0x85: {  	_ =	shalt  }
0x86: {  	_ =	shalt  }
0x87: {  	_ =	shalt  }
.Lfunc_end0:
.L_simem_size_0:
called_computation.1_lowered:
.L_overlay_start_0:
0x88: {  	s2 =	sld [smem:$0x3FD9]  }
0x89: {  	s3 =	sld [smem:$0x3FFE];
	_ =	sdelay $0x1  }
0x8a: {  	s1 =	srdreg.scid  }
0x8b: {  	s0 =	sand.u32 $0x1, s1  }
0x8c: {  	s17 =	sshll.u32 s0, $0xA;
	s2 =	sadd.s32 s3, s2  }
0x8d: {  	s2 =	sadd.s32 s2, s17  }
0x8e: {  	[smem:$0x3FC6] =	sst s2  }
0x8f: {  	_ = 	snop  }
0x90: {  	s2 =	sld [smem:$0x3FD0];
	(tm) =	ssettm $0x1  }
0x91: {  	s18 =	sld [smem:$0x3FFB];
	_ =	sdelay $0x3  }
0x92: {  	_ =	strace s18  }
0x93: {  	s3 =	sld [smem:$0x3FFC];
	_ =	sdelay $0x3  }
0x94: {  	_ =	strace s3  }
0x95: {  	s3 =	sld [smem:$0x3FFD];
	_ =	sdelay $0x3  }
0x96: {  	_ =	strace s3  }
0x97: {  	_ =	strace $0x8FFFFFFF  }
0x98: {  	s19 =	sld [smem:$0x3FDB];
	_ =	sdelay $0x1  }
0x99: {  	s4 =	simm.s32 $_scs_section_size  }
0x9a: {  	s5 =	simm.s32 $_size__tile_overlayer_lowered;
	s6 =	simm.s32 $_tile_overlayer_lowered  }
0x9b: {  	s22 =	simm.s32 $0x1BFF;
	s21 =	sshll.u32 s6, $0x1;
	s3 =	sadd.s32 s4, s19  }
0x9c: {  	s7 =	simm.s32 $0x0;
	s20 =	sshll.u32 s5, $0x1;
	s5 =	sadd.s32 s21, s3  }
0x9d: {  	[timem:s7], [sflag:s22] =	dma.local [hbm:s5], s20  }
0x9e: {  	_ =	swait.ge [sflag:s22], s20  }
0x9f: {  	s4 =	ssub.s32 $0x0, s20;
	[sflag:s22] =	ssyncset.done $0x0  }
0xa0: {  	[sflag:s22] =	ssyncadd.s32 s4;
	_ =	sdelay $0x1  }
0xa1: {  	s23 =	simm.s32 $0x1B8B  }
0xa2: {  	_ =	swait.ge [sflag:s23], $0x1  }
0xa3: {  	[sflag:s23] =	ssyncset.done $0x0  }
0xa4: {  	s25 =	simm.s32 $0x1B8E;
	s24 =	sld [smem:$0x3FFE];
	[sflag:s23] =	ssyncadd.s32 $0xFFFFFFFF  }
0xa5: {  	s26 =	simm.s32 $execute0_lowered;
	[smem:$0x3FD2] =	sst s25  }
0xa6: {  	s5 =	sshll.u32 s26, $0x1;
	_ =	strace $0x80000046;
	[dreg:$0x1] =	wrdreg $0xFFFFFFFF  }
0xa7: {  	s28 =	simm.s32 $_size_execute0_lowered;
	s3 =	sadd.s32 s3, s5;
	[dreg:$0x0] =	wrdreg $0x0  }
0xa8: {  	s5 =	sshll.u32 s28, $0x1;
	[dreg:$0x2] =	wrdreg s3  }
0xa9: {  	[dreg:$0x3] =	wrdreg s5  }
0xaa: {  	[dreg:$0x4] =	wrdreg $0xC0  }
0xab: {  	_ =	task [dreg:s7], $0x5FFFF  }
0xac: {  	[dreg:$0x1] =	wrdreg $0xFFFFFFFF  }
0xad: {  	[dreg:$0x0] =	wrdreg $0x60  }
0xae: {  	[dreg:$0x2] =	wrdreg s24  }
0xaf: {  	[dreg:$0x3] =	wrdreg s2  }
0xb0: {  	[dreg:$0x4] =	wrdreg $0x0  }
0xb1: {  	[dreg:$0x5] =	wrdreg $0x9  }
0xb2: {  	_ =	task.clear_ibuf [dreg:s7], $0x6FFFF;
	_ =	strace $0x90000046  }
0xb3: {  	s29 =	simm.s32 $0x9;
	_ =	strace $0x80000048  }
0xb4: {  	_ =	swait.ge [sflag:s29], $0x1  }
0xb5: {  	[sflag:s29] =	ssyncadd.s32 $0xFFFFFFFF  }
0xb6: {  	_ =	strace $0x90000048  }
0xb7: {  	_ =	sfence  }
0xb8: {  	s30 =	sld [smem:$0x0];
	_ =	sdelay $0x2  }
0xb9: {  	s31 =	sshll.u32 s1, $0xD;
	s1 =	sshrl.u32 s1, $0x2  }
0xba: {  	s3 =	sand.u32 $0x4000, s31;
	s1 =	sadd.s32 s1, s30  }
0xbb: {  	s0 =	sor.u32 s3, s0;
	s1 =	sshll.u32 s1, $0x11  }
0xbc: {  	s0 =	sor.u32 s1, s0  }
0xbd: {  	s0 =	sadd.s32 $0x8F2B, s0  }
0xbe: {  	[sflag:s0] =	ssyncadd.remote.s32 $0x1  }
0xbf: {  	_ =	sfence.sel $0xFFFF  }
0xc0: {  	[dreg:$0x0] =	wrdreg $0xFFFFFFFF;
	(pc) =	sbr.abs _section_cstart, $3  }
0xc1: {  	[dreg:$0x1] =	wrdreg $0xFFFFFFFF  }
0xc2: {  	_ =	task.clear_ibuf [dreg:s7], $0x2FFFF;
	_ =	strace $0x9FFFFFFF  }
0xc3: {  	(tm) =	ssettm $0x7FFFFFFF  }
tec
execute0_lowered:
.L_overlay_start_1:
0x0: {  	(tag) =	ssettag $0x1  }
0x1: {  	s0 =	rddreg [dreg:$0x0];
	s2 =	srdreg.scid  }
0x2: {  	s14 =	stileid.u32;
	s1 =	rddreg [dreg:$0x1];
	s17 =	simm.s32 $0x1  }
0x3: {  	s18 =	simm.s32 $0x80;
	s19 =	simm.s32 $0x7F20;
	s26 =	simm.s32 $0x2  }
0x4: {  	s21 =	simm.s32 $0x620;
	s22 =	simm.s32 $0x15F20;
	s23 =	simm.s32 $0x3  }
0x5: {  	s24 =	simm.s32 $0x0;
	s10 =	sand.u32 $0x1, s2;
	s3 =	sshll.u32 s14, $0x1  }
0x6: {  	s2 =	rddreg [dreg:$0x2];
	s4 =	sadd.s32 $0x800, s0;
	s15 =	smul.u32 $0x3D0000, s14  }
0x7: {  	s11 =	sadd.s32 $0x7A0C00, s1;
	s12 =	sadd.s32 $0x7A1000, s1;
	p0 =	sne.s32 s14, $0x0  }
0x8: {  	s20 =	sor.u32 s10, s3;
	s3 =	simm.s32 $0x0;
	s31 =	smul.u32 $0x1E8000, s10  }
0x9: {  	s6 =	ssub.s32 $0x2, s10;
	s10 =	sadd.s32 $0x7A0000, s1;
	s5 =	smul.u32 $0xF40, s20  }
0xa: {  	s16 =	sshrl.u32 @!p0 s2, $0x3;
	[smem:$0x7FF] =	sst s3;
	s7 =	smul.u32 $0x3D000, s20  }
0xb: {  	s8 =	sshrl.u32 s6, $0x1;
	s9 =	smul.u32 $0x1E8000, s20;
	p1 =	sne.s32 s20, $0x1F  }
0xc: {  	s20 =	simm.s32 $0x13F20;
	_ =	strace $0x80000047;
	s13 =	ssub.s32 s6, s8  }
0xd: {  	s0 =	sadd.s32 s5, s0;
	s6 =	sadd.s32 s1, s7;
	s30 =	sshrl.u32 s9, $0x3  }
0xe: {  	s7 =	sadd.s32 $0x7A0400, s1;
	s5 =	sadd.s32 $0xE00, s0;
	s0 =	sadd.s32 s1, s30  }
0xf: {  	s9 =	sadd.s32 $0x7A0800, s1;
	s8 =	sadd.s32 $0x3C000, s0;
	s0 =	sadd.s32 s31, s15  }
0x10: {  	s13 =	smax.u32 s13, $0x1;
	s15 =	simm.s32 $0x2A0;
	s14 =	sadd.s32 $0x8000, s0  }
.LBB2_1:
0x11: {  	[tilespmem:s15], [sflag:$0x1] =	stream.linear.gather [hbm4b:s5+s3], $0x7C80, $0x38;
	[tilespmem:$0x17F20] =	vst v63  }
0x12: {  	s25 =	simm.s32 @!p0 $0x1C04  }
0x13: {  	[spmem:s16], [sflag:s25] =	dma.local @!p0 [hbm:s4], $0x538  }
0x14: {  	s25 =	simm.s32 @!p0 $0x4  }
0x15: {  	_ =	swait.ge @!p0 [sflag:s25], $0x538  }
0x16: {  	[sflag:s25] =	ssyncset.done @!p0 $0x0  }
0x17: {  	[sflag:s25] =	ssyncadd.s32 @!p0 $0xFFFFFAC8  }
0x18: {  	_ =	swait.ge [sflag:s17], $0x7C80  }
0x19: {  	[sflag:s17] =	ssyncset.done $0x0  }
0x1a: {  	[sflag:s17] =	ssyncadd.s32 $0xFFFF8380  }
0x1b: {  	[bflag:$0x0] =	sbarrier.arrive $0xFFFF  }
0x1c: {  	[tilespmem:s19], [sflag:$0x2] =	stream.indirect.gather [spmem:s2], $0x40, s15, s18, $0xb8;
	[tilespmem:$0x17F20] =	vst v63  }
0x1d: {  	s0 =	simm.s32 $0x320;
	s31 =	simm.s32 $0x9F20  }
0x1e: {  	[tilespmem:s31], [sflag:$0x2] =	stream.indirect.gather [spmem:s2], $0x40, s0, s18, $0xb8;
	[tilespmem:$0x17F20] =	vst v63  }
0x1f: {  	s25 =	simm.s32 $0x3A0;
	s31 =	simm.s32 $0xBF20  }
0x20: {  	[tilespmem:s31], [sflag:$0x2] =	stream.indirect.gather [spmem:s2], $0x40, s25, s18, $0xb8;
	[tilespmem:$0x17F20] =	vst v63  }
0x21: {  	s25 =	simm.s32 $0x420;
	s31 =	simm.s32 $0xDF20  }
0x22: {  	[tilespmem:s31], [sflag:$0x2] =	stream.indirect.gather [spmem:s2], $0x40, s25, s18, $0xb8;
	[tilespmem:$0x17F20] =	vst v63  }
0x23: {  	_ =	swait.ge [sflag:s26], $0x2000  }
0x24: {  	[sflag:s26] =	ssyncset.done $0x0  }
0x25: {  	[sflag:s26] =	ssyncadd.s32 $0xFFFFE000  }
0x26: {  	_ =	swait.ge [sflag:s26], $0x2000  }
0x27: {  	[sflag:s26] =	ssyncset.done $0x0  }
0x28: {  	[sflag:s26] =	ssyncadd.s32 $0xFFFFE000  }
0x29: {  	_ =	swait.ge [sflag:s26], $0x2000  }
0x2a: {  	[sflag:s26] =	ssyncset.done $0x0  }
0x2b: {  	[sflag:s26] =	ssyncadd.s32 $0xFFFFE000  }
0x2c: {  	_ =	swait.ge [sflag:s26], $0x2000  }
0x2d: {  	[sflag:s26] =	ssyncset.done $0x0  }
0x2e: {  	[sflag:s26] =	ssyncadd.s32 $0xFFFFE000  }
0x2f: {  	[hbm4b:s6+s3] =	stream.linear.scatter [tilespmem:s19], [sflag:$0x3], $0x8000, $0x38;
	[tilespmem:$0x17F20] =	vst v63  }
0x30: {  	s25 =	simm.s32 $0x4A0;
	s31 =	simm.s32 $0xFF20  }
0x31: {  	[tilespmem:s31], [sflag:$0x2] =	stream.indirect.gather [spmem:s2], $0x40, s25, s18, $0xb8;
	[tilespmem:$0x17F20] =	vst v63  }
0x32: {  	s25 =	simm.s32 $0x520;
	s31 =	simm.s32 $0x11F20  }
0x33: {  	[tilespmem:s31], [sflag:$0x2] =	stream.indirect.gather [spmem:s2], $0x40, s25, s18, $0xb8;
	[tilespmem:$0x17F20] =	vst v63  }
0x34: {  	s31 =	simm.s32 $0x5A0  }
0x35: {  	[tilespmem:s20], [sflag:$0x2] =	stream.indirect.gather [spmem:s2], $0x40, s31, s18, $0xb8;
	[tilespmem:$0x17F20] =	vst v63  }
0x36: {  	_ = 	snop  }
0x37: {  	[tilespmem:s22], [sflag:$0x2] =	stream.indirect.gather [spmem:s2], $0x40, s21, s18, $0xb8;
	[tilespmem:$0x17F20] =	vst v63  }
0x38: {  	_ =	swait.ge [sflag:s26], $0x2000  }
0x39: {  	[sflag:s26] =	ssyncset.done $0x0  }
0x3a: {  	[sflag:s26] =	ssyncadd.s32 $0xFFFFE000  }
0x3b: {  	_ =	swait.ge [sflag:s26], $0x2000  }
0x3c: {  	[sflag:s26] =	ssyncset.done $0x0  }
0x3d: {  	[sflag:s26] =	ssyncadd.s32 $0xFFFFE000  }
0x3e: {  	_ =	swait.ge [sflag:s26], $0x2000  }
0x3f: {  	[sflag:s26] =	ssyncset.done $0x0  }
0x40: {  	s0 =	sadd.s32 $0x10000, s14;
	[sflag:s26] =	ssyncadd.s32 $0xFFFFE000  }
0x41: {  	s28 =	simm.s32 $0x8000;
	s25 =	sadd.s32 $0xFFFF0000, s0;
	_ =	swait.ge [sflag:s26], $0x2000  }
0x42: {  	s28 =	sand.u32 $0x8000, s28;
	s25 =	sshrl.u32 s25, $0x3;
	[sflag:s26] =	ssyncset.done $0x0  }
0x43: {  	s28 =	sor.u32 $0x7F20, s28;
	s25 =	sadd.s32 s1, s25;
	[sflag:s26] =	ssyncadd.s32 $0xFFFFE000  }
0x44: {  	[hbm4b:s25+s3] =	stream.linear.scatter [tilespmem:s28], [sflag:$0x3], $0x8000, $0x38;
	[tilespmem:$0x17F20] =	vst v63  }
0x45: {  	s31 =	simm.s32 $0x10000;
	_ =	swait.ge [sflag:s23], $0x8000  }
0x46: {  	s28 =	sand.u32 $0x8000, s31;
	[sflag:s23] =	ssyncset.done $0x0  }
0x47: {  	s29 =	simm.s32 $0x6A0;
	s25 =	sor.u32 $0x7F20, s28;
	[sflag:s23] =	ssyncadd.s32 $0xFFFF8000  }
0x48: {  	[tilespmem:s25], [sflag:$0x2] =	stream.indirect.gather [spmem:s2], $0x40, s29, s18, $0xb8;
	[tilespmem:$0x17F20] =	vst v63  }
0x49: {  	s0 =	sadd.s32 $0x9F20, s28;
	s29 =	simm.s32 $0x720  }
0x4a: {  	[tilespmem:s0], [sflag:$0x2] =	stream.indirect.gather [spmem:s2], $0x40, s29, s18, $0xb8;
	[tilespmem:$0x17F20] =	vst v63  }
0x4b: {  	s30 =	simm.s32 $0x820;
	s31 =	sadd.s32 $0xBF20, s28;
	s29 =	simm.s32 $0x7A0  }
0x4c: {  	[tilespmem:s31], [sflag:$0x2] =	stream.indirect.gather [spmem:s2], $0x40, s29, s18, $0xb8;
	[tilespmem:$0x17F20] =	vst v63  }
0x4d: {  	s25 =	simm.s32 $0x800;
	s29 =	sadd.s32 $0xDF20, s28;
	s28 =	simm.s32 $0x18000  }
.LBB2_2:
0x4e: {  	[tilespmem:s29], [sflag:$0x2] =	stream.indirect.gather [spmem:s2], $0x40, s30, s18, $0xb8;
	[tilespmem:$0x17F20] =	vst v63  }
0x4f: {  	s29 =	smov.u32 s25  }
0x50: {  	p2 =	sne.s32 s25, $0x1D000;
	s25 =	sadd.s32 $0x800, s25;
	_ =	swait.ge [sflag:s26], $0x2000  }
0x51: {  	[sflag:s26] =	ssyncset.done $0x0  }
0x52: {  	[sflag:s26] =	ssyncadd.s32 $0xFFFFE000  }
0x53: {  	_ =	swait.ge [sflag:s26], $0x2000  }
0x54: {  	[sflag:s26] =	ssyncset.done $0x0  }
0x55: {  	[sflag:s26] =	ssyncadd.s32 $0xFFFFE000  }
0x56: {  	_ =	swait.ge [sflag:s26], $0x2000  }
0x57: {  	[sflag:s26] =	ssyncset.done $0x0  }
0x58: {  	s30 =	sadd.s32 s28, s14;
	[sflag:s26] =	ssyncadd.s32 $0xFFFFE000  }
0x59: {  	s31 =	sadd.s32 $0xFFFF8000, s28;
	s30 =	sadd.s32 $0xFFFF0000, s30;
	_ =	swait.ge [sflag:s26], $0x2000  }
0x5a: {  	s31 =	sand.u32 $0x8000, s31;
	s30 =	sshrl.u32 s30, $0x3;
	[sflag:s26] =	ssyncset.done $0x0  }
0x5b: {  	s31 =	sor.u32 $0x7F20, s31;
	s30 =	sadd.s32 s1, s30;
	[sflag:s26] =	ssyncadd.s32 $0xFFFFE000  }
0x5c: {  	[hbm4b:s30+s3] =	stream.linear.scatter [tilespmem:s31], [sflag:$0x3], $0x8000, $0x38;
	[tilespmem:$0x17F20] =	vst v63  }
0x5d: {  	_ =	swait.ge [sflag:s23], $0x8000  }
0x5e: {  	s30 =	sand.u32 $0x8000, s28;
	s31 =	sshra.s32 s29, $0x2;
	[sflag:s23] =	ssyncset.done $0x0  }
0x5f: {  	s29 =	sor.u32 $0x7F20, s30;
	s0 =	sadd.s32 $0x6A0, s31;
	[sflag:s23] =	ssyncadd.s32 $0xFFFF8000  }
0x60: {  	[tilespmem:s29], [sflag:$0x2] =	stream.indirect.gather [spmem:s2], $0x40, s0, s18, $0xb8;
	[tilespmem:$0x17F20] =	vst v63  }
.Ltmp0:
0x61: {  	s0 =	sadd.s32 $0x9F20, s30;
	s29 =	sadd.s32 $0x720, s31;
	(pc) =	sbr.rel @p2 .LBB2_2-.Ltmp0, $4  }
0x62: {  	[tilespmem:s0], [sflag:$0x2] =	stream.indirect.gather [spmem:s2], $0x40, s29, s18, $0xb8;
	[tilespmem:$0x17F20] =	vst v63  }
0x63: {  	s0 =	sadd.s32 $0xBF20, s30;
	s29 =	sadd.s32 $0x7A0, s31  }
0x64: {  	[tilespmem:s0], [sflag:$0x2] =	stream.indirect.gather [spmem:s2], $0x40, s29, s18, $0xb8;
	[tilespmem:$0x17F20] =	vst v63  }
0x65: {  	s28 =	sadd.s32 $0x8000, s28;
	s29 =	sadd.s32 $0xDF20, s30;
	s30 =	sadd.s32 $0x820, s31  }
0x66: {  	[tilespmem:s29], [sflag:$0x2] =	stream.indirect.gather [spmem:s2], $0x40, s30, s18, $0xb8;
	[tilespmem:$0x17F20] =	vst v63  }
0x67: {  	_ =	swait.ge [sflag:s26], $0x2000  }
0x68: {  	[sflag:s26] =	ssyncset.done $0x0  }
0x69: {  	[sflag:s26] =	ssyncadd.s32 $0xFFFFE000  }
0x6a: {  	_ =	swait.ge [sflag:s26], $0x2000  }
0x6b: {  	[sflag:s26] =	ssyncset.done $0x0  }
0x6c: {  	[sflag:s26] =	ssyncadd.s32 $0xFFFFE000  }
0x6d: {  	_ =	swait.ge [sflag:s26], $0x2000  }
0x6e: {  	[sflag:s26] =	ssyncset.done $0x0  }
0x6f: {  	[sflag:s26] =	ssyncadd.s32 $0xFFFFE000  }
0x70: {  	_ =	swait.ge [sflag:s26], $0x2000  }
0x71: {  	[sflag:s26] =	ssyncset.done $0x0  }
0x72: {  	[sflag:s26] =	ssyncadd.s32 $0xFFFFE000  }
0x73: {  	[hbm4b:s8+s3] =	stream.linear.scatter [tilespmem:s19], [sflag:$0x3], $0x8000, $0x38;
	[tilespmem:$0x17F20] =	vst v63  }
0x74: {  	_ =	swait.ge [sflag:s23], $0x8000  }
0x75: {  	[sflag:s23] =	ssyncset.done $0x0  }
0x76: {  	[sflag:s23] =	ssyncadd.s32 $0xFFFF8000  }
0x77: {  	_ =	swait.ge [sflag:s23], $0x8000  }
0x78: {  	s0 =	simm.s32 @!p1 $0x80;
	[sflag:s23] =	ssyncset.done $0x0  }
0x79: {  	s25 =	simm.s32 @!p1 $0x7CA0;
	s28 =	simm.s32 @!p1 $0x7F20;
	[sflag:s23] =	ssyncadd.s32 $0xFFFF8000  }
0x7a: {  	[tilespmem:s28], [sflag:$0x2] =	stream.indirect.gather @!p1 [spmem:s2], $0x40, s25, s0, $0xb8;
	[tilespmem:$0x17F20] =	vst v63  }
0x7b: {  	s25 =	simm.s32 @!p1 $0x2  }
0x7c: {  	_ =	swait.ge @!p1 [sflag:s25], $0x2000  }
0x7d: {  	[sflag:s25] =	ssyncset.done @!p1 $0x0  }
0x7e: {  	s29 =	simm.s32 @!p1 $0x0;
	s30 =	simm.s32 @!p1 $0x4;
	[sflag:s25] =	ssyncadd.s32 @!p1 $0xFFFFE000  }
0x7f: {  	[hbm4b:s10+s29] =	stream.linear.scatter @!p1 [tilespmem:s28], [sflag:$0x4], $0x2000, $0x38;
	[tilespmem:$0x17F20] =	vst v63  }
0x80: {  	_ =	swait.ge @!p1 [sflag:s30], $0x2000  }
0x81: {  	[sflag:s30] =	ssyncset.done @!p1 $0x0  }
0x82: {  	s31 =	simm.s32 @!p1 $0x7D20;
	[sflag:s30] =	ssyncadd.s32 @!p1 $0xFFFFE000  }
0x83: {  	[tilespmem:s28], [sflag:$0x2] =	stream.indirect.gather @!p1 [spmem:s2], $0x40, s31, s0, $0xb8;
	[tilespmem:$0x17F20] =	vst v63  }
0x84: {  	_ =	swait.ge @!p1 [sflag:s25], $0x2000  }
0x85: {  	[sflag:s25] =	ssyncset.done @!p1 $0x0  }
0x86: {  	[sflag:s25] =	ssyncadd.s32 @!p1 $0xFFFFE000  }
0x87: {  	[hbm4b:s7+s29] =	stream.linear.scatter @!p1 [tilespmem:s28], [sflag:$0x4], $0x2000, $0x38;
	[tilespmem:$0x17F20] =	vst v63  }
0x88: {  	_ =	swait.ge @!p1 [sflag:s30], $0x2000  }
0x89: {  	[sflag:s30] =	ssyncset.done @!p1 $0x0  }
0x8a: {  	s31 =	simm.s32 @!p1 $0x7DA0;
	[sflag:s30] =	ssyncadd.s32 @!p1 $0xFFFFE000  }
0x8b: {  	[tilespmem:s28], [sflag:$0x2] =	stream.indirect.gather @!p1 [spmem:s2], $0x40, s31, s0, $0xb8;
	[tilespmem:$0x17F20] =	vst v63  }
0x8c: {  	_ =	swait.ge @!p1 [sflag:s25], $0x2000  }
0x8d: {  	[sflag:s25] =	ssyncset.done @!p1 $0x0  }
0x8e: {  	[sflag:s25] =	ssyncadd.s32 @!p1 $0xFFFFE000  }
0x8f: {  	[hbm4b:s9+s29] =	stream.linear.scatter @!p1 [tilespmem:s28], [sflag:$0x4], $0x2000, $0x38;
	[tilespmem:$0x17F20] =	vst v63  }
0x90: {  	_ =	swait.ge @!p1 [sflag:s30], $0x2000  }
0x91: {  	[sflag:s30] =	ssyncset.done @!p1 $0x0  }
0x92: {  	s31 =	simm.s32 @!p1 $0x7E20;
	[sflag:s30] =	ssyncadd.s32 @!p1 $0xFFFFE000  }
0x93: {  	[tilespmem:s28], [sflag:$0x2] =	stream.indirect.gather @!p1 [spmem:s2], $0x40, s31, s0, $0xb8;
	[tilespmem:$0x17F20] =	vst v63  }
0x94: {  	_ =	swait.ge @!p1 [sflag:s25], $0x2000  }
0x95: {  	[sflag:s25] =	ssyncset.done @!p1 $0x0  }
0x96: {  	[sflag:s25] =	ssyncadd.s32 @!p1 $0xFFFFE000  }
0x97: {  	[hbm4b:s11+s29] =	stream.linear.scatter @!p1 [tilespmem:s28], [sflag:$0x4], $0x2000, $0x38;
	[tilespmem:$0x17F20] =	vst v63  }
0x98: {  	_ =	swait.ge @!p1 [sflag:s30], $0x2000  }
0x99: {  	[sflag:s30] =	ssyncset.done @!p1 $0x0  }
0x9a: {  	s31 =	simm.s32 @!p1 $0x7EA0;
	[sflag:s30] =	ssyncadd.s32 @!p1 $0xFFFFE000  }
0x9b: {  	[tilespmem:s28], [sflag:$0x2] =	stream.indirect.gather @!p1 [spmem:s2], $0x40, s31, s0, $0xb8;
	[tilespmem:$0x17F20] =	vst v63  }
0x9c: {  	s24 =	sadd.s32 $0x1, s24;
	_ =	swait.ge @!p1 [sflag:s25], $0x2000  }
0x9d: {  	p2 =	sne.s32 s24, s13;
	[sflag:s25] =	ssyncset.done @!p1 $0x0  }
.Ltmp1:
0x9e: {  	[sflag:s25] =	ssyncadd.s32 @!p1 $0xFFFFE000;
	(pc) =	sbr.rel @p2 .LBB2_1-.Ltmp1, $4  }
0x9f: {  	[hbm4b:s12+s29] =	stream.linear.scatter @!p1 [tilespmem:s28], [sflag:$0x4], $0x1000, $0x38;
	[tilespmem:$0x17F20] =	vst v63  }
0xa0: {  	_ =	swait.ge @!p1 [sflag:s30], $0x1000  }
0xa1: {  	[sflag:s30] =	ssyncset.done @!p1 $0x0  }
0xa2: {  	[sflag:s30] =	ssyncadd.s32 @!p1 $0xFFFFF000  }
0xa3: {  	_ =	sfence.sel $0x180000  }
0xa4: {  	[bflag:$0x0] =	sbarrier.arrive $0xFFFF  }
0xa5: {  	_ =	strace $0x90000047  }
0xa6: {  	[bflag:$0x2] =	sbarrier.arrive $0xFFFF  }
0xa7: {  	s0 =	rddreg [dreg:$0x3]  }
0xa8: {  	s0 =	sadd.s32 @!p0 $0x100000, s0  }
0xa9: {  	[sflag:s0] =	ssyncadd.tile.s32 @!p0 $0x1;
	_ =	shalt  }
.Lfunc_end2:
_tile_overlayer_lowered:
.L_overlay_start_2:
0xaa: {  	(tag) =	ssettag $0x2  }
0xab: {  	s0 =	rddreg [dreg:$0x0];
	s2 =	stileid.u32  }
0xac: {  	s1 =	rddreg [dreg:$0x1];
	p0 =	sne.s32 s2, $0x0  }
0xad: {  	s3 =	rddreg [dreg:$0x2];
	[bflag:$0x3] =	sbarrier.arrive $0xFFFF;
	s2 =	simm.s32 @!p0 $0x1C04  }
0xae: {  	[timem:s3], [sflag:s2] =	dma.local @!p0 [hbm:s0], s1  }
0xaf: {  	s0 =	simm.s32 @!p0 $0x4  }
0xb0: {  	_ =	swait.ge @!p0 [sflag:s0], s1  }
0xb1: {  	s1 =	ssub.s32 @!p0 $0x0, s1;
	[sflag:s0] =	ssyncset.done @!p0 $0x0  }
0xb2: {  	[sflag:s0] =	ssyncadd.s32 @!p0 s1  }
0xb3: {  	[bflag:$0x3] =	sbarrier.arrive $0xFFFF  }
0xb4: {  	_ =	shalt  }

// kernel: sparse-core-data-format-call.cloned.1.call-start
scs
called_computation_lowered:
.L_overlay_start_0:
0x0: {  	s2 =	sld [smem:$0x3FD9]  }
0x1: {  	s3 =	sld [smem:$0x3FFE];
	_ =	sdelay $0x1  }
0x2: {  	s1 =	srdreg.scid  }
0x3: {  	s0 =	sand.u32 $0x1, s1  }
0x4: {  	s18 =	sshll.u32 s0, $0xA;
	s2 =	sadd.s32 s3, s2  }
0x5: {  	s2 =	sadd.s32 s2, s18  }
0x6: {  	[smem:$0x3FC6] =	sst s2  }
0x7: {  	_ = 	snop  }
0x8: {  	s2 =	sld [smem:$0x3FD0];
	(tm) =	ssettm $0x1  }
0x9: {  	s19 =	sld [smem:$0x3FFB];
	_ =	sdelay $0x3  }
0xa: {  	_ =	strace s19  }
0xb: {  	s3 =	sld [smem:$0x3FFC];
	_ =	sdelay $0x3  }
0xc: {  	_ =	strace s3  }
0xd: {  	s3 =	sld [smem:$0x3FFD];
	_ =	sdelay $0x3  }
0xe: {  	_ =	strace s3  }
0xf: {  	_ =	strace $0x8FFFFFFF  }
0x10: {  	s20 =	sld [smem:$0x3FDB];
	_ =	sdelay $0x1  }
0x11: {  	s4 =	simm.s32 $_scs_section_size  }
0x12: {  	s5 =	simm.s32 $_size__tile_overlayer_lowered;
	s6 =	simm.s32 $_tile_overlayer_lowered  }
0x13: {  	s23 =	simm.s32 $0x1BFF;
	s22 =	sshll.u32 s6, $0x1;
	s3 =	sadd.s32 s4, s20  }
0x14: {  	s7 =	simm.s32 $0x0;
	s21 =	sshll.u32 s5, $0x1;
	s5 =	sadd.s32 s22, s3  }
0x15: {  	[timem:s7], [sflag:s23] =	dma.local [hbm:s5], s21  }
0x16: {  	_ =	swait.ge [sflag:s23], s21  }
0x17: {  	s4 =	ssub.s32 $0x0, s21;
	[sflag:s23] =	ssyncset.done $0x0  }
0x18: {  	[sflag:s23] =	ssyncadd.s32 s4;
	_ =	sdelay $0x1  }
0x19: {  	s24 =	simm.s32 $0x1B8B  }
0x1a: {  	_ =	swait.ge [sflag:s24], $0x1  }
0x1b: {  	[sflag:s24] =	ssyncset.done $0x0  }
0x1c: {  	s26 =	simm.s32 $0x1B8E;
	s25 =	sld [smem:$0x3FFE];
	[sflag:s24] =	ssyncadd.s32 $0xFFFFFFFF  }
0x1d: {  	s27 =	simm.s32 $execute0_lowered;
	[smem:$0x3FD2] =	sst s26  }
0x1e: {  	s5 =	sshll.u32 s27, $0x1;
	_ =	strace $0x80000049;
	[dreg:$0x1] =	wrdreg $0xFFFFFFFF  }
0x1f: {  	s28 =	simm.s32 $_size_execute0_lowered;
	s3 =	sadd.s32 s3, s5;
	[dreg:$0x0] =	wrdreg $0x0  }
0x20: {  	s5 =	sshll.u32 s28, $0x1;
	[dreg:$0x2] =	wrdreg s3  }
0x21: {  	[dreg:$0x3] =	wrdreg s5  }
0x22: {  	[dreg:$0x4] =	wrdreg $0xC0  }
0x23: {  	_ =	task [dreg:s7], $0x5FFFF  }
0x24: {  	[dreg:$0x1] =	wrdreg $0xFFFFFFFF  }
0x25: {  	[dreg:$0x0] =	wrdreg $0x60  }
0x26: {  	[dreg:$0x2] =	wrdreg s25  }
0x27: {  	[dreg:$0x3] =	wrdreg s2  }
0x28: {  	[dreg:$0x4] =	wrdreg $0x9  }
0x29: {  	_ =	task.clear_ibuf [dreg:s7], $0x5FFFF;
	_ =	strace $0x90000049  }
0x2a: {  	s29 =	simm.s32 $0x9;
	_ =	strace $0x8000004B  }
0x2b: {  	_ =	swait.ge [sflag:s29], $0x1  }
0x2c: {  	[sflag:s29] =	ssyncadd.s32 $0xFFFFFFFF  }
0x2d: {  	_ =	strace $0x9000004B  }
0x2e: {  	_ =	sfence  }
0x2f: {  	s30 =	sld [smem:$0x0];
	_ =	sdelay $0x2  }
0x30: {  	s31 =	sshll.u32 s1, $0xD;
	s1 =	sshrl.u32 s1, $0x2  }
0x31: {  	s3 =	sand.u32 $0x4000, s31;
	s1 =	sadd.s32 s1, s30  }
0x32: {  	s0 =	sor.u32 s3, s0;
	s1 =	sshll.u32 s1, $0x11  }
0x33: {  	s0 =	sor.u32 s1, s0  }
0x34: {  	s0 =	sadd.s32 $0x8F2B, s0  }
0x35: {  	[sflag:s0] =	ssyncadd.remote.s32 $0x1  }
0x36: {  	_ =	sfence.sel $0xFFFF  }
0x37: {  	[dreg:$0x0] =	wrdreg $0xFFFFFFFF;
	(pc) =	sbr.abs _section_cstart, $3  }
0x38: {  	[dreg:$0x1] =	wrdreg $0xFFFFFFFF  }
0x39: {  	_ =	task.clear_ibuf [dreg:s7], $0x2FFFF;
	_ =	strace $0x9FFFFFFF  }
0x3a: {  	(tm) =	ssettm $0x7FFFFFFF  }
0x3b: {  	_ =	shalt  }
tec
execute0_lowered:
.L_overlay_start_1:
0x0: {  	(tag) =	ssettag $0x1  }
0x1: {  	s4 =	rddreg [dreg:$0x0]  }
0x2: {  	s0 =	srdreg.scid;
	s2 =	rddreg [dreg:$0x1]  }
0x3: {  	s1 =	stileid.u32;
	s5 =	simm.s32 $0x1;
	s0 =	sshll.u32 s0, $0x4  }
0x4: {  	s7 =	simm.s32 $0x2;
	s11 =	simm.s32 $0x0;
	s3 =	sand.u32 $0x10, s0  }
.Ltmp0:
0x5: {  	p0 =	por $0x0, $0x0;
	s3 =	sor.u32 s1, s3;
	(pc) =	sbr.rel .LBB1_1-.Ltmp0, $4  }
0x6: {  	s8 =	simm.s32 $0x7A1400;
	s10 =	simm.s32 $0x0;
	s3 =	sshll.u32 s3, $0x7  }
0x7: {  	s0 =	rddreg [dreg:$0x2];
	_ =	strace $0x8000004A;
	s6 =	ssub.s32 $0xF4200, s3  }
0x8: {  	s4 =	sadd.s32 $0x800, s4;
	[sflag:s5] =	ssyncpa.u1 $0x0;
	s6 =	sshrl.u32 s6, $0xC  }
0x9: {  	[sflag:s7] =	ssyncpa.u1 $0x0;
	s9 =	smov.u32 s3;
	s7 =	sadd.s32 $0x2, s6  }
.LBB1_5:
0xa: {  	s13 =	sadd.s32 $0x1000, s9  }
0xb: {  	p2 =	sgt.s32 s13, $0xF423F  }
0xc: {  	s13 =	smov.u32 @p2 s3;
	p2 =	sne.s32 s10, s7  }
.Ltmp1:
0xd: {  	p1 =	slt.u32 s10, $0x2;
	(pc) =	sbr.rel @!p2 .LBB1_6-.Ltmp1, $4  }
0xe: {  	s12 =	simm.s32 @!p1 $0x2  }
0xf: {  	s14 =	sadd.s32 $0x1, s10;
	_ =	swait.ge @!p1 [sflag:s12], $0x2000  }
0x10: {  	s11 =	smov.u32 s9;
	p0 =	por !p0, !p0;
	[sflag:s12] =	ssyncset.done @!p1 $0x0  }
0x11: {  	s10 =	smov.u32 s14;
	s9 =	smov.u32 s13;
	[sflag:s12] =	ssyncadd.s32 @!p1 $0xFFFFE000  }
.LBB1_1:
0x12: {  	p1 =	sgt.u32 s10, s6  }
0x13: {  	s13 =	smov.u32 s9;
	p2 =	sgt.s32 @!p1 s9, $0xF41C0  }
0x14: {  	s12 =	sand.u32 @!p1 $0x1FFFFFF, s9;
	s14 =	sshra.s32 @!p1 s9, $0x1F;
	p2 =	por !p2, p1  }
0x15: {  	s15 =	smulhi.u32 @!p1 $0x218DEF5, s12;
	s14 =	sand.u32 @!p1 s14, s9;
	s13 =	simm.s32 @p2 $0xF41C0  }
0x16: {  	s13 =	ssub.s32 @!p1 s13, s14  }
0x17: {  	s14 =	sshrl.u32 @!p1 s15, $0xD;
	s13 =	sadd.s32 @!p1 $0xFFF0BE40, s13  }
0x18: {  	s15 =	sxor.u32 @!p1 $0xFFFFFFFF, s10;
	s14 =	smul.u32 @!p1 $0xF4240, s14;
	s16 =	sshll.u32 @!p1 s13, $0x8  }
0x19: {  	s15 =	sshll.u32 @!p1 s15, $0xD;
	p2 =	sgt.s32 @!p1 s13, $0x7F;
	s13 =	ssub.s32 @!p1 $0x8000, s16  }
0x1a: {  	s12 =	ssub.s32 @!p1 s12, s14;
	p2 =	por !p2, p1;
	s14 =	sand.u32 @!p1 $0x2000, s15  }
0x1b: {  	s15 =	simm.s32 @!p1 $0x40;
	s13 =	sshrl.u32 @!p1 s13, $0x2;
	s12 =	sshll.u32 @!p1 s12, $0x4  }
0x1c: {  	s16 =	simm.s32 @!p1 $0x80;
	s13 =	simm.s32 @!p2 $0x0;
	s12 =	sadd.s32 @!p1 s4, s12  }
0x1d: {  	[tilespmem:s14], [sflag:$0x1] =	stream.strided.gather @!p1 [hbm4b:s12+s15], s13, s16, s15, $0x38;
	[tilespmem:$0x8080] =	vst v63  }
0x1e: {  	p1 =	seq.s32 s10, $0x0  }
0x1f: {  	p2 =	sge.u32 @!p1 s10, s7  }
0x20: {  	p1 =	por p1, p2  }
.Ltmp2:
0x21: {  	_ = 	snop;
	(pc) =	sbr.rel @p1 .LBB1_5-.Ltmp2, $1  }
0x22: {  	_ =	sdelay $0x3  }
0x23: {  	p1 =	sgt.s32 s11, $0xF41C0;
	s12 =	smov.u32 s11;
	s13 =	sshra.s32 s11, $0x1F  }
0x24: {  	s12 =	simm.s32 @!p1 $0xF41C0;
	s13 =	sand.u32 s13, s11  }
0x25: {  	s12 =	ssub.s32 s12, s13  }
0x26: {  	s12 =	sadd.s32 $0xFFF0BE40, s12  }
0x27: {  	s28 =	sshll.u32 s12, $0x8  }
0x28: {  	s13 =	ssub.s32 $0x8000, s28  }
0x29: {  	p1 =	sgt.s32 s12, $0x7F;
	s12 =	sshrl.u32 s13, $0x2  }
0x2a: {  	s13 =	simm.s32 $0x1;
	s12 =	simm.s32 @p1 $0x0  }
0x2b: {  	s13 =	simm.s32 @!p0 $0x0;
	_ =	swait.ge [sflag:s5], s12  }
0x2c: {  	s14 =	sshll.u32 s13, $0xD;
	s12 =	ssub.s32 $0x0, s12;
	[sflag:s5] =	ssyncset.done $0x0  }
0x2d: {  	s16 =	sor.u32 $0x20, s14;
	[sflag:s5] =	ssyncadd.s32 s12  }
0x2e: {  	s29 =	smul.u32 $0x8100, s13;
	v3 =	vld [tilespmem:s16+$0x10]  }
0x2f: {  	s30 =	sand.u32 $0x1, s10;
	v2 =	vld [tilespmem:s16+$0xFFFFFFF0]  }
0x30: {  	s13 =	smul.u32 $0x8100, s30;
	s12 =	sshrl.u32 s29, $0x2;
	v0 =	vld [tilespmem:s16+$0x0]  }
0x31: {  	s14 =	sor.u32 $0x4000, s12;
	v1 =	vld [tilespmem:s16+$0xFFFFFFE0]  }
0x32: {  	s31 =	sshrl.u32 s13, $0x2;
	s13 =	sadd.s32 $0x0, s14  }
0x33: {  	s15 =	simm.s32 $0x4;
	s12 =	sor.u32 $0x4000, s31;
	s16 =	sadd.s32 $0x40, s16;
	[tilespmem:s13+$0x1830 ss:$0x81] =	vst.msk $0xffff, v3  }
.LBB1_3:
0x34: {  	v3 =	vld [tilespmem:s16+$0x10];
	p1 =	sne.s32 s15, $0x1FC;
	[tilespmem:s13+$0x810 ss:$0x81] =	vst.msk $0xffff, v2;
	s17 =	smov.u32 s15;
	s15 =	sadd.s32 $0x4, s15  }
.Ltmp3:
0x35: {  	v2 =	vld [tilespmem:s16+$0xFFFFFFF0];
	[tilespmem:s13+$0x1020 ss:$0x81] =	vst.msk $0xffff, v0;
	(pc) =	sbr.rel @p1 .LBB1_3-.Ltmp3, $4  }
0x36: {  	v0 =	vld [tilespmem:s16+$0x0];
	[tilespmem:s13+$0x0 ss:$0x81] =	vst.msk $0xffff, v1  }
0x37: {  	s13 =	sshra.s32 s17, $0x2;
	v1 =	vld [tilespmem:s16+$0xFFFFFFE0]  }
0x38: {  	s13 =	sadd.s32 s13, s14  }
0x39: {  	s16 =	sadd.s32 $0x40, s16;
	[tilespmem:s13+$0x1830 ss:$0x81] =	vst.msk $0xffff, v3  }
0x3a: {  	s14 =	sshll.u32 s11, $0x3  }
0x3b: {  	s30 =	sand.u32 $0x7F, s11;
	s14 =	sand.u32 $0xFFFFFC00, s14  }
0x3c: {  	s11 =	sor.u32 s30, s14  }
0x3d: {  	s15 =	smulhi.u32 $0x218D6287, s11;
	_ =	sdelay $0x1  }
0x3e: {  	s14 =	smulhi.u32 $0x218D6287, s14;
	s15 =	sshrl.u32 s15, $0x11  }
0x3f: {  	s15 =	smul.u32 $0xF4280, s15  }
0x40: {  	s14 =	sshrl.u32 s14, $0x11  }
.Ltmp4:
0x41: {  	s14 =	sand.u32 $0x3F, s14;
	s11 =	ssub.s32 s11, s15;
	(pc) =	sbr.rel .LBB1_5-.Ltmp4, $4  }
0x42: {  	[tilespmem:s13+$0x810 ss:$0x81] =	vst.msk $0xffff, v2;
	s14 =	smul.u32 $0x1E850, s14;
	s15 =	sshrl.u32 s11, $0x3;
	s11 =	sand.u32 $0x7, s11  }
0x43: {  	[tilespmem:s13+$0x1020 ss:$0x81] =	vst.msk $0xffff, v0;
	s15 =	sadd.s32 s2, s15;
	s11 =	sshll.u32 s11, $0x12  }
0x44: {  	[tilespmem:s13+$0x0 ss:$0x81] =	vst.msk $0xffff, v1;
	s31 =	sadd.s32 s14, s15;
	s11 =	sor.u32 $0x400, s11  }
0x45: {  	[hbm4b:s31+s11] =	stream.strided.scatter [tilespmem:s12], [sflag:$0x2], $0x2000, s8, s11, $0x20;
	[tilespmem:$0x8080] =	vst v63  }
.LBB1_6:
0x46: {  	_ =	sfence.sel $0x180000  }
0x47: {  	s2 =	simm.s32 $0x1;
	[bflag:$0x0] =	sbarrier.arrive $0xFFFF  }
0x48: {  	s31 =	simm.s32 $0x2;
	[sflag:s2] =	ssyncpa.u1 $0x1  }
0x49: {  	[sflag:s31] =	ssyncpa.u1 $0x1  }
0x4a: {  	p0 =	sne.s32 s1, $0x0;
	_ =	strace $0x9000004A  }
0x4b: {  	s0 =	sadd.s32 @!p0 $0x100000, s0;
	[bflag:$0x2] =	sbarrier.arrive $0xFFFF  }
0x4c: {  	[sflag:s0] =	ssyncadd.tile.s32 @!p0 $0x1;
	_ =	shalt  }
.Lfunc_end1:
_tile_overlayer_lowered:
.L_overlay_start_2:
0x4d: {  	(tag) =	ssettag $0x2  }
0x4e: {  	s0 =	rddreg [dreg:$0x0];
	s2 =	stileid.u32  }
0x4f: {  	s1 =	rddreg [dreg:$0x1];
	p0 =	sne.s32 s2, $0x0  }
0x50: {  	s3 =	rddreg [dreg:$0x2];
	[bflag:$0x3] =	sbarrier.arrive $0xFFFF;
	s2 =	simm.s32 @!p0 $0x1C01  }
0x51: {  	[timem:s3], [sflag:s2] =	dma.local @!p0 [hbm:s0], s1  }
0x52: {  	s0 =	simm.s32 @!p0 $0x1  }
0x53: {  	_ =	swait.ge @!p0 [sflag:s0], s1  }
0x54: {  	s1 =	ssub.s32 @!p0 $0x0, s1;
	[sflag:s0] =	ssyncset.done @!p0 $0x0  }
0x55: {  	[sflag:s0] =	ssyncadd.s32 @!p0 s1  }
0x56: {  	[bflag:$0x3] =	sbarrier.arrive $0xFFFF  }
0x57: {  	_ =	shalt  }

</sc_bundles>
